<compile_context>
chip_gen: v7x
topology: tpu7x:2x2x1
jax: 0.10.2.dev20260603
libtpu: 0.0.44.dev20260713+nightly
codegen_flags: <defaults>
</compile_context>

<pallas_src>
import jax
import jax.numpy as jnp
from jax import lax
from jax.experimental import pallas as pl
from jax.experimental.pallas import tpu as pltpu
from jax.experimental.pallas import tpu_sc as plsc

B, L, V, D, H, C = 4096, 200, 100000, 128, 32, 10

NC, NS, LANES = 2, 16, 16
NW = NC * NS
BPW = B // NW
NV = D // LANES

CH0, CH1 = 104, 96


def _pool_body(x_hbm, table_hbm, out_sum_hbm, out_max_hbm,
               idx_v, rows0_v, rows1_v, osum_v, omax_v, sem0, sem1):
    cid = lax.axis_index("c")
    sid = lax.axis_index("s")
    wid = sid * NC + cid
    base = wid * BPW

    pltpu.sync_copy(x_hbm.at[pl.ds(pl.multiple_of(base * L, 8), BPW * L)],
                    idx_v)

    chunks = ((0, CH0), (CH0, CH1))

    def start_gather(s, rows_v, sem):
        for o, n in chunks:
            pltpu.async_copy(table_hbm.at[idx_v.at[pl.ds(pl.multiple_of(s * L, 8) + o, n)]],
                             rows_v.at[pl.ds(o, n)], sem)

    def wait_gather(rows_v, sem):
        for o, n in chunks:
            pltpu.make_async_copy(table_hbm.at[idx_v.at[pl.ds(o, n)]],
                                  rows_v.at[pl.ds(o, n)], sem).wait()

    def pool_rows(rows_v):
        def row_body(r, carry):
            ss = list(carry[:NV])
            mm = list(carry[NV:])
            for c in range(NV):
                v = rows_v[r, pl.ds(c * LANES, LANES)]
                ss[c] = ss[c] + v
                mm[c] = jnp.maximum(mm[c], v)
            return tuple(ss) + tuple(mm)

        init = (tuple(jnp.zeros((LANES,), jnp.float32) for _ in range(NV)) +
                tuple(jnp.full((LANES,), -jnp.inf, jnp.float32)
                      for _ in range(NV)))
        return lax.fori_loop(0, L, row_body, init)

    def store(s, res):
        for c in range(NV):
            osum_v[s, pl.ds(c * LANES, LANES)] = res[c]
            omax_v[s, pl.ds(c * LANES, LANES)] = res[NV + c]

    npair = BPW // 2
    start_gather(0, rows0_v, sem0)
    start_gather(1, rows1_v, sem1)

    def pair_body(p, _):
        s0 = 2 * p
        wait_gather(rows0_v, sem0)
        res0 = pool_rows(rows0_v)

        @pl.when(p < npair - 1)
        def _():
            start_gather(s0 + 2, rows0_v, sem0)

        store(s0, res0)
        wait_gather(rows1_v, sem1)
        res1 = pool_rows(rows1_v)

        @pl.when(p < npair - 1)
        def _():
            start_gather(s0 + 3, rows1_v, sem1)

        store(s0 + 1, res1)
        return 0

    lax.fori_loop(0, npair, pair_body, 0)

    pltpu.sync_copy(osum_v, out_sum_hbm.at[pl.ds(base, BPW)])
    pltpu.sync_copy(omax_v, out_max_hbm.at[pl.ds(base, BPW)])


@jax.jit
def _pool(x_flat, table):
    mesh = plsc.VectorSubcoreMesh(core_axis_name="c", subcore_axis_name="s",
                                  num_cores=NC, num_subcores=NS)
    return pl.kernel(
        _pool_body,
        out_type=(jax.ShapeDtypeStruct((B, D), jnp.float32),
                  jax.ShapeDtypeStruct((B, D), jnp.float32)),
        mesh=mesh,
        scratch_types=[
            pltpu.VMEM((BPW * L,), jnp.int32),
            pltpu.VMEM((L, D), jnp.float32),
            pltpu.VMEM((L, D), jnp.float32),
            pltpu.VMEM((BPW, D), jnp.float32),
            pltpu.VMEM((BPW, D), jnp.float32),
            pltpu.SemaphoreType.DMA,
            pltpu.SemaphoreType.DMA,
        ],
    )(x_flat, table)


def _mlp_body(sum_ref, max_ref, len_ref, w1_ref, b1_ref, w2_ref, b2_ref,
              out_ref):
    dn = (((1,), (1,)), ((), ()))
    mean = sum_ref[...] / len_ref[...]
    h = lax.dot_general(mean, w1_ref[:, :D], dn,
                        preferred_element_type=jnp.float32)
    h = h + lax.dot_general(max_ref[...], w1_ref[:, D:], dn,
                            preferred_element_type=jnp.float32)
    h = jnp.maximum(h + b1_ref[...], 0.0)
    out_ref[...] = lax.dot_general(h, w2_ref[...], dn,
                                   preferred_element_type=jnp.float32) + b2_ref[...]


@jax.jit
def _mlp(sums, maxs, len_col, W1, b1r, W2, b2r):
    return pl.pallas_call(
        _mlp_body,
        out_shape=jax.ShapeDtypeStruct((B, C), jnp.float32),
    )(sums, maxs, len_col, W1, b1r, W2, b2r)


def kernel(x, lengths, table, W1, b1, W2, b2):
    sums, maxs = _pool(x.reshape(-1), table)
    return _mlp(sums, maxs, lengths.astype(jnp.float32).reshape(B, 1),
                W1, b1.reshape(1, H), W2, b2.reshape(1, C))

# --- scband reference (transcript-rebuilt; emitter-appended) ---
"""Pipeline reference for scband-baseline-dnn-47132971106339 (READ-ONLY COPY).

The authoritative reference and input builder live on the scoring server;
editing this copy changes nothing except your own understanding.
"""

import jax, jax.numpy as jnp
import numpy as np

B, L, V, D, H, C = 4096, 200, 100000, 128, 32, 10

def setup_inputs(seed: int = 0) -> dict:
    key = jax.random.key(seed)
    ks = jax.random.split(key, 8)
    x = jax.random.randint(ks[0], (B, L), 0, V, dtype=jnp.int64) if jax.config.jax_enable_x64 else jax.random.randint(ks[0], (B, L), 0, V, dtype=jnp.int32)
    # lengths must be >= 1 (used as divisor); clamp lower bound to 1
    lengths = jax.random.randint(ks[1], (B,), 1, L + 1, dtype=x.dtype)
    table = jax.random.normal(ks[2], (V, D), dtype=jnp.float32) * 0.02
    W1 = jax.random.normal(ks[3], (H, 2 * D), dtype=jnp.float32) * 0.05
    b1 = jnp.zeros((H,), dtype=jnp.float32)
    W2 = jax.random.normal(ks[4], (C, H), dtype=jnp.float32) * 0.05
    b2 = jnp.zeros((C,), dtype=jnp.float32)
    return {"x": x, "lengths": lengths, "table": table, "W1": W1, "b1": b1, "W2": W2, "b2": b2}

def reference(x, lengths, table, W1, b1, W2, b2):
    # Embedding lookup (gather)
    emb = jnp.take(table, x, axis=0)  # [B, L, D]
    # mean representation: sum over all positions divided by true length
    # (faithful to torch code: padding positions included in the sum)
    rep_mean = jnp.sum(emb, axis=1) / lengths[:, None].astype(jnp.float32)  # [B, D]
    # max representation over all positions (faithful: includes padding)
    rep_max = jnp.max(emb, axis=1)  # [B, D]
    representations = jnp.concatenate([rep_mean, rep_max], axis=1)  # [B, 2D]
    h = jax.nn.relu(representations @ W1.T + b1)  # [B, H]
    logits = h @ W2.T + b2  # [B, C]
    return logits

if __name__ == "__main__":
    import jax
    _d = setup_inputs()
    print(jax.jit(kernel)(*tuple(_d.values())))

</pallas_src>

<mosaic_0001>
#map = affine_map<(d0, d1) -> (0)>
#map1 = affine_map<(d0, d1) -> (0, 0)>
module attributes {stable_mosaic.version = 14 : i64} {
  func.func @_pool_body(%arg0: i32, %arg1: i32, %arg2: memref<819200xi32, #tpu.memory_space<hbm>>, %arg3: memref<100000x128xf32, #tpu.memory_space<hbm>>, %arg4: memref<4096x128xf32, #tpu.memory_space<hbm>>, %arg5: memref<4096x128xf32, #tpu.memory_space<hbm>>, %arg6: memref<25600xi32, #tpu.memory_space<vmem>>, %arg7: memref<200x128xf32, #tpu.memory_space<vmem>>, %arg8: memref<200x128xf32, #tpu.memory_space<vmem>>, %arg9: memref<128x128xf32, #tpu.memory_space<vmem>>, %arg10: memref<128x128xf32, #tpu.memory_space<vmem>>, %arg11: memref<!tpu.dma_semaphore, #tpu.memory_space<semaphore_mem>>, %arg12: memref<!tpu.dma_semaphore, #tpu.memory_space<semaphore_mem>>) attributes {dimension_semantics = [#tpu.dimension_semantics<core_parallel>, #tpu.dimension_semantics<subcore_parallel>], iteration_bounds = array<i64: 2, 16>, scalar_prefetch = 0 : i64, scratch_operands = 7 : i64, tpu.core_type = #tpu.core_type<sc_vector_subcore>, window_params = [{transform_indices = #map}, {transform_indices = #map1}, {transform_indices = #map1}, {transform_indices = #map1}]} {
    %mul3A = arith.constant 2 : i32
    %mul3A_0 = arith.muli %arg1, %mul3A : i32
    %add3A = arith.addi %mul3A_0, %arg0 : i32
    %mul3A_1 = arith.constant 128 : i32
    %mul3A_2 = arith.muli %add3A, %mul3A_1 : i32
    %mul3A_3 = arith.constant 200 : i32
    %mul3A_4 = arith.muli %mul3A_2, %mul3A_3 : i32
    %multiple_of3A = tpu.assume_multiple %mul3A_4, 8 : i32
    "tpu.region"() ({
      %run_scoped3A = tpu.sem_alloc : memref<!tpu.dma_semaphore, #tpu.memory_space<semaphore_mem>>
      %dma_start3A_54 = tpu.memref_slice %arg2[%multiple_of3A] : memref<819200xi32, #tpu.memory_space<hbm>> -> memref<25600xi32, #tpu.memory_space<hbm>>
      %dma_start3A_55 = tpu.memref_slice %arg2[%multiple_of3A] : memref<819200xi32, #tpu.memory_space<hbm>> -> memref<25600xi32, #tpu.memory_space<hbm>>
      tpu.enqueue_dma source(%dma_start3A_55 : memref<25600xi32, #tpu.memory_space<hbm>>) target(%arg6 : memref<25600xi32, #tpu.memory_space<vmem>>) target_semaphore(%run_scoped3A : memref<!tpu.dma_semaphore, #tpu.memory_space<semaphore_mem>>)
      %dma_wait3A = tpu.memref_slice %arg2[%multiple_of3A] : memref<819200xi32, #tpu.memory_space<hbm>> -> memref<25600xi32, #tpu.memory_space<hbm>>
      %dma_wait3A_56 = tpu.memref_slice %arg2[%multiple_of3A] : memref<819200xi32, #tpu.memory_space<hbm>> -> memref<25600xi32, #tpu.memory_space<hbm>>
      tpu.wait_dma2 semaphore(%run_scoped3A : memref<!tpu.dma_semaphore, #tpu.memory_space<semaphore_mem>>) src(%dma_wait3A_56 : memref<25600xi32, #tpu.memory_space<hbm>>) dst(%arg6 : memref<25600xi32, #tpu.memory_space<vmem>>)
      tpu.yield
    }) : () -> ()
    %multiple_of3A_5 = arith.constant 0 : i32
    %multiple_of3A_6 = tpu.assume_multiple %multiple_of3A_5, 8 : i32
    %add3A_7 = arith.constant 0 : i32
    %add3A_8 = arith.addi %multiple_of3A_6, %add3A_7 : i32
    %dma_start3A = arith.constant 0 : i32
    %dma_start3A_9 = arith.constant 0 : i32
    %dma_start3A_10 = tpu.memref_slice %arg7[%dma_start3A, %dma_start3A_9] : memref<200x128xf32, #tpu.memory_space<vmem>> -> memref<104x128xf32, #tpu.memory_space<vmem>>
    %dma_start3A_11 = tpu.memref_slice %arg6[%add3A_8] : memref<25600xi32, #tpu.memory_space<vmem>> -> memref<104xi32, #tpu.memory_space<vmem>>
    %dma_start3A_12 = arith.constant 0 : i32
    %dma_start3A_13 = arith.constant 0 : i32
    %dma_start3A_14 = tpu.memref_slice %arg3[%dma_start3A_12, %dma_start3A_13] : memref<100000x128xf32, #tpu.memory_space<hbm>> -> memref<100000x128xf32, #tpu.memory_space<hbm>>
    tpu.enqueue_indirect_dma source(%dma_start3A_14 : memref<100000x128xf32, #tpu.memory_space<hbm>>) target(%dma_start3A_10 : memref<104x128xf32, #tpu.memory_space<vmem>>) offsets(%dma_start3A_11 : memref<104xi32, #tpu.memory_space<vmem>>) semaphore(%arg11 : memref<!tpu.dma_semaphore, #tpu.memory_space<semaphore_mem>>)
    %multiple_of3A_15 = arith.constant 0 : i32
    %multiple_of3A_16 = tpu.assume_multiple %multiple_of3A_15, 8 : i32
    %add3A_17 = arith.constant 104 : i32
    %add3A_18 = arith.addi %multiple_of3A_16, %add3A_17 : i32
    %dma_start3A_19 = arith.constant 104 : i32
    %dma_start3A_20 = arith.constant 0 : i32
    %dma_start3A_21 = tpu.memref_slice %arg7[%dma_start3A_19, %dma_start3A_20] : memref<200x128xf32, #tpu.memory_space<vmem>> -> memref<96x128xf32, #tpu.memory_space<vmem>>
    %dma_start3A_22 = tpu.memref_slice %arg6[%add3A_18] : memref<25600xi32, #tpu.memory_space<vmem>> -> memref<96xi32, #tpu.memory_space<vmem>>
    %dma_start3A_23 = arith.constant 0 : i32
    %dma_start3A_24 = arith.constant 0 : i32
    %dma_start3A_25 = tpu.memref_slice %arg3[%dma_start3A_23, %dma_start3A_24] : memref<100000x128xf32, #tpu.memory_space<hbm>> -> memref<100000x128xf32, #tpu.memory_space<hbm>>
    tpu.enqueue_indirect_dma source(%dma_start3A_25 : memref<100000x128xf32, #tpu.memory_space<hbm>>) target(%dma_start3A_21 : memref<96x128xf32, #tpu.memory_space<vmem>>) offsets(%dma_start3A_22 : memref<96xi32, #tpu.memory_space<vmem>>) semaphore(%arg11 : memref<!tpu.dma_semaphore, #tpu.memory_space<semaphore_mem>>)
    %multiple_of3A_26 = arith.constant 200 : i32
    %multiple_of3A_27 = tpu.assume_multiple %multiple_of3A_26, 8 : i32
    %add3A_28 = arith.constant 0 : i32
    %add3A_29 = arith.addi %multiple_of3A_27, %add3A_28 : i32
    %dma_start3A_30 = arith.constant 0 : i32
    %dma_start3A_31 = arith.constant 0 : i32
    %dma_start3A_32 = tpu.memref_slice %arg8[%dma_start3A_30, %dma_start3A_31] : memref<200x128xf32, #tpu.memory_space<vmem>> -> memref<104x128xf32, #tpu.memory_space<vmem>>
    %dma_start3A_33 = tpu.memref_slice %arg6[%add3A_29] : memref<25600xi32, #tpu.memory_space<vmem>> -> memref<104xi32, #tpu.memory_space<vmem>>
    %dma_start3A_34 = arith.constant 0 : i32
    %dma_start3A_35 = arith.constant 0 : i32
    %dma_start3A_36 = tpu.memref_slice %arg3[%dma_start3A_34, %dma_start3A_35] : memref<100000x128xf32, #tpu.memory_space<hbm>> -> memref<100000x128xf32, #tpu.memory_space<hbm>>
    tpu.enqueue_indirect_dma source(%dma_start3A_36 : memref<100000x128xf32, #tpu.memory_space<hbm>>) target(%dma_start3A_32 : memref<104x128xf32, #tpu.memory_space<vmem>>) offsets(%dma_start3A_33 : memref<104xi32, #tpu.memory_space<vmem>>) semaphore(%arg12 : memref<!tpu.dma_semaphore, #tpu.memory_space<semaphore_mem>>)
    %multiple_of3A_37 = arith.constant 200 : i32
    %multiple_of3A_38 = tpu.assume_multiple %multiple_of3A_37, 8 : i32
    %add3A_39 = arith.constant 104 : i32
    %add3A_40 = arith.addi %multiple_of3A_38, %add3A_39 : i32
    %dma_start3A_41 = arith.constant 104 : i32
    %dma_start3A_42 = arith.constant 0 : i32
    %dma_start3A_43 = tpu.memref_slice %arg8[%dma_start3A_41, %dma_start3A_42] : memref<200x128xf32, #tpu.memory_space<vmem>> -> memref<96x128xf32, #tpu.memory_space<vmem>>
    %dma_start3A_44 = tpu.memref_slice %arg6[%add3A_40] : memref<25600xi32, #tpu.memory_space<vmem>> -> memref<96xi32, #tpu.memory_space<vmem>>
    %dma_start3A_45 = arith.constant 0 : i32
    %dma_start3A_46 = arith.constant 0 : i32
    %dma_start3A_47 = tpu.memref_slice %arg3[%dma_start3A_45, %dma_start3A_46] : memref<100000x128xf32, #tpu.memory_space<hbm>> -> memref<100000x128xf32, #tpu.memory_space<hbm>>
    tpu.enqueue_indirect_dma source(%dma_start3A_47 : memref<100000x128xf32, #tpu.memory_space<hbm>>) target(%dma_start3A_43 : memref<96x128xf32, #tpu.memory_space<vmem>>) offsets(%dma_start3A_44 : memref<96xi32, #tpu.memory_space<vmem>>) semaphore(%arg12 : memref<!tpu.dma_semaphore, #tpu.memory_space<semaphore_mem>>)
    %scan3A = arith.constant 0 : i32
    %scan3A_48 = arith.constant 0 : i32
    %scan3A_49 = arith.constant 64 : i32
    %scan3A_50 = arith.addi %scan3A_48, %scan3A_49 : i32
    %scan3A_51 = arith.constant 1 : i32
    %scan3A_52 = scf.for %scan3A_54 = %scan3A_48 to %scan3A_50 step %scan3A_51 iter_args(%scan3A_55 = %scan3A) -> (i32)  : i32 {
      %mul3A_56 = arith.constant 2 : i32
      %mul3A_57 = arith.muli %mul3A_56, %scan3A_54 : i32
      %dma_wait3A = arith.constant 0 : i32
      %dma_wait3A_58 = arith.constant 0 : i32
      %dma_wait3A_59 = tpu.memref_slice %arg7[%dma_wait3A, %dma_wait3A_58] : memref<200x128xf32, #tpu.memory_space<vmem>> -> memref<104x128xf32, #tpu.memory_space<vmem>>
      %dma_wait3A_60 = arith.constant 0 : i32
      %dma_wait3A_61 = tpu.memref_slice %arg6[%dma_wait3A_60] : memref<25600xi32, #tpu.memory_space<vmem>> -> memref<104xi32, #tpu.memory_space<vmem>>
      %dma_wait3A_62 = arith.constant 0 : i32
      %dma_wait3A_63 = arith.constant 0 : i32
      %dma_wait3A_64 = tpu.memref_slice %arg3[%dma_wait3A_62, %dma_wait3A_63] : memref<100000x128xf32, #tpu.memory_space<hbm>> -> memref<100000x128xf32, #tpu.memory_space<hbm>>
      tpu.wait_indirect_dma semaphore(%arg11 : memref<!tpu.dma_semaphore, #tpu.memory_space<semaphore_mem>>) src(%dma_wait3A_64 : memref<100000x128xf32, #tpu.memory_space<hbm>>) dst(%dma_wait3A_59 : memref<104x128xf32, #tpu.memory_space<vmem>>)
      %dma_wait3A_65 = arith.constant 104 : i32
      %dma_wait3A_66 = arith.constant 0 : i32
      %dma_wait3A_67 = tpu.memref_slice %arg7[%dma_wait3A_65, %dma_wait3A_66] : memref<200x128xf32, #tpu.memory_space<vmem>> -> memref<96x128xf32, #tpu.memory_space<vmem>>
      %dma_wait3A_68 = arith.constant 104 : i32
      %dma_wait3A_69 = tpu.memref_slice %arg6[%dma_wait3A_68] : memref<25600xi32, #tpu.memory_space<vmem>> -> memref<96xi32, #tpu.memory_space<vmem>>
      %dma_wait3A_70 = arith.constant 0 : i32
      %dma_wait3A_71 = arith.constant 0 : i32
      %dma_wait3A_72 = tpu.memref_slice %arg3[%dma_wait3A_70, %dma_wait3A_71] : memref<100000x128xf32, #tpu.memory_space<hbm>> -> memref<100000x128xf32, #tpu.memory_space<hbm>>
      tpu.wait_indirect_dma semaphore(%arg11 : memref<!tpu.dma_semaphore, #tpu.memory_space<semaphore_mem>>) src(%dma_wait3A_72 : memref<100000x128xf32, #tpu.memory_space<hbm>>) dst(%dma_wait3A_67 : memref<96x128xf32, #tpu.memory_space<vmem>>)
      %broadcast_in_dim3A = arith.constant 0.000000e+00 : f32
      %broadcast_in_dim3A_73 = vector.broadcast %broadcast_in_dim3A : f32 to vector<16xf32>
      %broadcast_in_dim3A_74 = arith.constant 0.000000e+00 : f32
      %broadcast_in_dim3A_75 = vector.broadcast %broadcast_in_dim3A_74 : f32 to vector<16xf32>
      %broadcast_in_dim3A_76 = arith.constant 0.000000e+00 : f32
      %broadcast_in_dim3A_77 = vector.broadcast %broadcast_in_dim3A_76 : f32 to vector<16xf32>
      %broadcast_in_dim3A_78 = arith.constant 0.000000e+00 : f32
      %broadcast_in_dim3A_79 = vector.broadcast %broadcast_in_dim3A_78 : f32 to vector<16xf32>
      %broadcast_in_dim3A_80 = arith.constant 0.000000e+00 : f32
      %broadcast_in_dim3A_81 = vector.broadcast %broadcast_in_dim3A_80 : f32 to vector<16xf32>
      %broadcast_in_dim3A_82 = arith.constant 0.000000e+00 : f32
      %broadcast_in_dim3A_83 = vector.broadcast %broadcast_in_dim3A_82 : f32 to vector<16xf32>
      %broadcast_in_dim3A_84 = arith.constant 0.000000e+00 : f32
      %broadcast_in_dim3A_85 = vector.broadcast %broadcast_in_dim3A_84 : f32 to vector<16xf32>
      %broadcast_in_dim3A_86 = arith.constant 0.000000e+00 : f32
      %broadcast_in_dim3A_87 = vector.broadcast %broadcast_in_dim3A_86 : f32 to vector<16xf32>
      %broadcast_in_dim3A_88 = arith.constant 0xFF800000 : f32
      %broadcast_in_dim3A_89 = vector.broadcast %broadcast_in_dim3A_88 : f32 to vector<16xf32>
      %broadcast_in_dim3A_90 = arith.constant 0xFF800000 : f32
      %broadcast_in_dim3A_91 = vector.broadcast %broadcast_in_dim3A_90 : f32 to vector<16xf32>
      %broadcast_in_dim3A_92 = arith.constant 0xFF800000 : f32
      %broadcast_in_dim3A_93 = vector.broadcast %broadcast_in_dim3A_92 : f32 to vector<16xf32>
      %broadcast_in_dim3A_94 = arith.constant 0xFF800000 : f32
      %broadcast_in_dim3A_95 = vector.broadcast %broadcast_in_dim3A_94 : f32 to vector<16xf32>
      %broadcast_in_dim3A_96 = arith.constant 0xFF800000 : f32
      %broadcast_in_dim3A_97 = vector.broadcast %broadcast_in_dim3A_96 : f32 to vector<16xf32>
      %broadcast_in_dim3A_98 = arith.constant 0xFF800000 : f32
      %broadcast_in_dim3A_99 = vector.broadcast %broadcast_in_dim3A_98 : f32 to vector<16xf32>
      %broadcast_in_dim3A_100 = arith.constant 0xFF800000 : f32
      %broadcast_in_dim3A_101 = vector.broadcast %broadcast_in_dim3A_100 : f32 to vector<16xf32>
      %broadcast_in_dim3A_102 = arith.constant 0xFF800000 : f32
      %broadcast_in_dim3A_103 = vector.broadcast %broadcast_in_dim3A_102 : f32 to vector<16xf32>
      %scan3A_104 = arith.constant 0 : i32
      %scan3A_105 = arith.constant 200 : i32
      %scan3A_106 = arith.addi %scan3A_104, %scan3A_105 : i32
      %scan3A_107 = arith.constant 1 : i32
      %scan3A_108:16 = scf.for %scan3A_333 = %scan3A_104 to %scan3A_106 step %scan3A_107 iter_args(%scan3A_334 = %broadcast_in_dim3A_73, %scan3A_335 = %broadcast_in_dim3A_75, %scan3A_336 = %broadcast_in_dim3A_77, %scan3A_337 = %broadcast_in_dim3A_79, %scan3A_338 = %broadcast_in_dim3A_81, %scan3A_339 = %broadcast_in_dim3A_83, %scan3A_340 = %broadcast_in_dim3A_85, %scan3A_341 = %broadcast_in_dim3A_87, %scan3A_342 = %broadcast_in_dim3A_89, %scan3A_343 = %broadcast_in_dim3A_91, %scan3A_344 = %broadcast_in_dim3A_93, %scan3A_345 = %broadcast_in_dim3A_95, %scan3A_346 = %broadcast_in_dim3A_97, %scan3A_347 = %broadcast_in_dim3A_99, %scan3A_348 = %broadcast_in_dim3A_101, %scan3A_349 = %broadcast_in_dim3A_103) -> (vector<16xf32>, vector<16xf32>, vector<16xf32>, vector<16xf32>, vector<16xf32>, vector<16xf32>, vector<16xf32>, vector<16xf32>, vector<16xf32>, vector<16xf32>, vector<16xf32>, vector<16xf32>, vector<16xf32>, vector<16xf32>, vector<16xf32>, vector<16xf32>)  : i32 {
        %get3A = arith.index_cast %scan3A_333 : i32 to index
        %get3A_350 = arith.constant 0 : index
        %get3A_351 = tpu.vector_load %arg7[%get3A, %get3A_350] {strides = array<i32>} : memref<200x128xf32, #tpu.memory_space<vmem>>, vector<1x16xf32>,
        %get3A_352 = vector.shape_cast %get3A_351 : vector<1x16xf32> to vector<16xf32>
        %add3A_353 = arith.addf %scan3A_334, %get3A_352 : vector<16xf32>
        %max3A = arith.maximumf %scan3A_342, %get3A_352 : vector<16xf32>
        %get3A_354 = arith.index_cast %scan3A_333 : i32 to index
        %get3A_355 = arith.constant 16 : index
        %get3A_356 = tpu.vector_load %arg7[%get3A_354, %get3A_355] {strides = array<i32>} : memref<200x128xf32, #tpu.memory_space<vmem>>, vector<1x16xf32>,
        %get3A_357 = vector.shape_cast %get3A_356 : vector<1x16xf32> to vector<16xf32>
        %add3A_358 = arith.addf %scan3A_335, %get3A_357 : vector<16xf32>
        %max3A_359 = arith.maximumf %scan3A_343, %get3A_357 : vector<16xf32>
        %get3A_360 = arith.index_cast %scan3A_333 : i32 to index
        %get3A_361 = arith.constant 32 : index
        %get3A_362 = tpu.vector_load %arg7[%get3A_360, %get3A_361] {strides = array<i32>} : memref<200x128xf32, #tpu.memory_space<vmem>>, vector<1x16xf32>,
        %get3A_363 = vector.shape_cast %get3A_362 : vector<1x16xf32> to vector<16xf32>
        %add3A_364 = arith.addf %scan3A_336, %get3A_363 : vector<16xf32>
        %max3A_365 = arith.maximumf %scan3A_344, %get3A_363 : vector<16xf32>
        %get3A_366 = arith.index_cast %scan3A_333 : i32 to index
        %get3A_367 = arith.constant 48 : index
        %get3A_368 = tpu.vector_load %arg7[%get3A_366, %get3A_367] {strides = array<i32>} : memref<200x128xf32, #tpu.memory_space<vmem>>, vector<1x16xf32>,
        %get3A_369 = vector.shape_cast %get3A_368 : vector<1x16xf32> to vector<16xf32>
        %add3A_370 = arith.addf %scan3A_337, %get3A_369 : vector<16xf32>
        %max3A_371 = arith.maximumf %scan3A_345, %get3A_369 : vector<16xf32>
        %get3A_372 = arith.index_cast %scan3A_333 : i32 to index
        %get3A_373 = arith.constant 64 : index
        %get3A_374 = tpu.vector_load %arg7[%get3A_372, %get3A_373] {strides = array<i32>} : memref<200x128xf32, #tpu.memory_space<vmem>>, vector<1x16xf32>,
        %get3A_375 = vector.shape_cast %get3A_374 : vector<1x16xf32> to vector<16xf32>
        %add3A_376 = arith.addf %scan3A_338, %get3A_375 : vector<16xf32>
        %max3A_377 = arith.maximumf %scan3A_346, %get3A_375 : vector<16xf32>
        %get3A_378 = arith.index_cast %scan3A_333 : i32 to index
        %get3A_379 = arith.constant 80 : index
        %get3A_380 = tpu.vector_load %arg7[%get3A_378, %get3A_379] {strides = array<i32>} : memref<200x128xf32, #tpu.memory_space<vmem>>, vector<1x16xf32>,
        %get3A_381 = vector.shape_cast %get3A_380 : vector<1x16xf32> to vector<16xf32>
        %add3A_382 = arith.addf %scan3A_339, %get3A_381 : vector<16xf32>
        %max3A_383 = arith.maximumf %scan3A_347, %get3A_381 : vector<16xf32>
        %get3A_384 = arith.index_cast %scan3A_333 : i32 to index
        %get3A_385 = arith.constant 96 : index
        %get3A_386 = tpu.vector_load %arg7[%get3A_384, %get3A_385] {strides = array<i32>} : memref<200x128xf32, #tpu.memory_space<vmem>>, vector<1x16xf32>,
        %get3A_387 = vector.shape_cast %get3A_386 : vector<1x16xf32> to vector<16xf32>
        %add3A_388 = arith.addf %scan3A_340, %get3A_387 : vector<16xf32>
        %max3A_389 = arith.maximumf %scan3A_348, %get3A_387 : vector<16xf32>
        %get3A_390 = arith.index_cast %scan3A_333 : i32 to index
        %get3A_391 = arith.constant 112 : index
        %get3A_392 = tpu.vector_load %arg7[%get3A_390, %get3A_391] {strides = array<i32>} : memref<200x128xf32, #tpu.memory_space<vmem>>, vector<1x16xf32>,
        %get3A_393 = vector.shape_cast %get3A_392 : vector<1x16xf32> to vector<16xf32>
        %add3A_394 = arith.addf %scan3A_341, %get3A_393 : vector<16xf32>
        %max3A_395 = arith.maximumf %scan3A_349, %get3A_393 : vector<16xf32>
        scf.yield %add3A_353, %add3A_358, %add3A_364, %add3A_370, %add3A_376, %add3A_382, %add3A_388, %add3A_394, %max3A, %max3A_359, %max3A_365, %max3A_371, %max3A_377, %max3A_383, %max3A_389, %max3A_395 : vector<16xf32>, vector<16xf32>, vector<16xf32>, vector<16xf32>, vector<16xf32>, vector<16xf32>, vector<16xf32>, vector<16xf32>, vector<16xf32>, vector<16xf32>, vector<16xf32>, vector<16xf32>, vector<16xf32>, vector<16xf32>, vector<16xf32>, vector<16xf32>
      }
      %scan3A_109 = arith.constant 200 : i32
      %lt3A = arith.constant 63 : i32
      %lt3A_110 = arith.cmpi slt, %scan3A_54, %lt3A : i32
      %convert_element_type3A = arith.extui %lt3A_110 : i1 to i32
      %cond3A = arith.constant 0 : i32
      %cond3A_111 = arith.cmpi ne, %convert_element_type3A, %cond3A : i32
      scf.if %cond3A_111 {
        %add3A_333 = arith.constant 2 : i32
        %add3A_334 = arith.addi %mul3A_57, %add3A_333 : i32
        %mul3A_335 = arith.constant 200 : i32
        %mul3A_336 = arith.muli %add3A_334, %mul3A_335 : i32
        %multiple_of3A_337 = tpu.assume_multiple %mul3A_336, 8 : i32
        %add3A_338 = arith.constant 0 : i32
        %add3A_339 = arith.addi %multiple_of3A_337, %add3A_338 : i32
        %dma_start3A_340 = arith.constant 0 : i32
        %dma_start3A_341 = arith.constant 0 : i32
        %dma_start3A_342 = tpu.memref_slice %arg7[%dma_start3A_340, %dma_start3A_341] : memref<200x128xf32, #tpu.memory_space<vmem>> -> memref<104x128xf32, #tpu.memory_space<vmem>>
        %dma_start3A_343 = tpu.memref_slice %arg6[%add3A_339] : memref<25600xi32, #tpu.memory_space<vmem>> -> memref<104xi32, #tpu.memory_space<vmem>>
        %dma_start3A_344 = arith.constant 0 : i32
        %dma_start3A_345 = arith.constant 0 : i32
        %dma_start3A_346 = tpu.memref_slice %arg3[%dma_start3A_344, %dma_start3A_345] : memref<100000x128xf32, #tpu.memory_space<hbm>> -> memref<100000x128xf32, #tpu.memory_space<hbm>>
        tpu.enqueue_indirect_dma source(%dma_start3A_346 : memref<100000x128xf32, #tpu.memory_space<hbm>>) target(%dma_start3A_342 : memref<104x128xf32, #tpu.memory_space<vmem>>) offsets(%dma_start3A_343 : memref<104xi32, #tpu.memory_space<vmem>>) semaphore(%arg11 : memref<!tpu.dma_semaphore, #tpu.memory_space<semaphore_mem>>)
        %mul3A_347 = arith.constant 200 : i32
        %mul3A_348 = arith.muli %add3A_334, %mul3A_347 : i32
        %multiple_of3A_349 = tpu.assume_multiple %mul3A_348, 8 : i32
        %add3A_350 = arith.constant 104 : i32
        %add3A_351 = arith.addi %multiple_of3A_349, %add3A_350 : i32
        %dma_start3A_352 = arith.constant 104 : i32
        %dma_start3A_353 = arith.constant 0 : i32
        %dma_start3A_354 = tpu.memref_slice %arg7[%dma_start3A_352, %dma_start3A_353] : memref<200x128xf32, #tpu.memory_space<vmem>> -> memref<96x128xf32, #tpu.memory_space<vmem>>
        %dma_start3A_355 = tpu.memref_slice %arg6[%add3A_351] : memref<25600xi32, #tpu.memory_space<vmem>> -> memref<96xi32, #tpu.memory_space<vmem>>
        %dma_start3A_356 = arith.constant 0 : i32
        %dma_start3A_357 = arith.constant 0 : i32
        %dma_start3A_358 = tpu.memref_slice %arg3[%dma_start3A_356, %dma_start3A_357] : memref<100000x128xf32, #tpu.memory_space<hbm>> -> memref<100000x128xf32, #tpu.memory_space<hbm>>
        tpu.enqueue_indirect_dma source(%dma_start3A_358 : memref<100000x128xf32, #tpu.memory_space<hbm>>) target(%dma_start3A_354 : memref<96x128xf32, #tpu.memory_space<vmem>>) offsets(%dma_start3A_355 : memref<96xi32, #tpu.memory_space<vmem>>) semaphore(%arg11 : memref<!tpu.dma_semaphore, #tpu.memory_space<semaphore_mem>>)
      } else {
      }
      %swap3A = arith.index_cast %mul3A_57 : i32 to index
      %swap3A_112 = arith.constant 0 : index
      %swap3A_113 = tpu.vector_load %arg9[%swap3A, %swap3A_112] {strides = array<i32>} : memref<128x128xf32, #tpu.memory_space<vmem>>, vector<1x16xf32>,
      %swap3A_114 = vector.shape_cast %swap3A_113 : vector<1x16xf32> to vector<16xf32>
      %swap3A_115 = vector.shape_cast %scan3A_108#0 : vector<16xf32> to vector<1x16xf32>
      tpu.vector_store %arg9[%swap3A, %swap3A_112], %swap3A_115 {strides = array<i32>} : memref<128x128xf32, #tpu.memory_space<vmem>>, vector<1x16xf32>,
      %swap3A_116 = arith.index_cast %mul3A_57 : i32 to index
      %swap3A_117 = arith.constant 0 : index
      %swap3A_118 = tpu.vector_load %arg10[%swap3A_116, %swap3A_117] {strides = array<i32>} : memref<128x128xf32, #tpu.memory_space<vmem>>, vector<1x16xf32>,
      %swap3A_119 = vector.shape_cast %swap3A_118 : vector<1x16xf32> to vector<16xf32>
      %swap3A_120 = vector.shape_cast %scan3A_108#8 : vector<16xf32> to vector<1x16xf32>
      tpu.vector_store %arg10[%swap3A_116, %swap3A_117], %swap3A_120 {strides = array<i32>} : memref<128x128xf32, #tpu.memory_space<vmem>>, vector<1x16xf32>,
      %swap3A_121 = arith.index_cast %mul3A_57 : i32 to index
      %swap3A_122 = arith.constant 16 : index
      %swap3A_123 = tpu.vector_load %arg9[%swap3A_121, %swap3A_122] {strides = array<i32>} : memref<128x128xf32, #tpu.memory_space<vmem>>, vector<1x16xf32>,
      %swap3A_124 = vector.shape_cast %swap3A_123 : vector<1x16xf32> to vector<16xf32>
      %swap3A_125 = vector.shape_cast %scan3A_108#1 : vector<16xf32> to vector<1x16xf32>
      tpu.vector_store %arg9[%swap3A_121, %swap3A_122], %swap3A_125 {strides = array<i32>} : memref<128x128xf32, #tpu.memory_space<vmem>>, vector<1x16xf32>,
      %swap3A_126 = arith.index_cast %mul3A_57 : i32 to index
      %swap3A_127 = arith.constant 16 : index
      %swap3A_128 = tpu.vector_load %arg10[%swap3A_126, %swap3A_127] {strides = array<i32>} : memref<128x128xf32, #tpu.memory_space<vmem>>, vector<1x16xf32>,
      %swap3A_129 = vector.shape_cast %swap3A_128 : vector<1x16xf32> to vector<16xf32>
      %swap3A_130 = vector.shape_cast %scan3A_108#9 : vector<16xf32> to vector<1x16xf32>
      tpu.vector_store %arg10[%swap3A_126, %swap3A_127], %swap3A_130 {strides = array<i32>} : memref<128x128xf32, #tpu.memory_space<vmem>>, vector<1x16xf32>,
      %swap3A_131 = arith.index_cast %mul3A_57 : i32 to index
      %swap3A_132 = arith.constant 32 : index
      %swap3A_133 = tpu.vector_load %arg9[%swap3A_131, %swap3A_132] {strides = array<i32>} : memref<128x128xf32, #tpu.memory_space<vmem>>, vector<1x16xf32>,
      %swap3A_134 = vector.shape_cast %swap3A_133 : vector<1x16xf32> to vector<16xf32>
      %swap3A_135 = vector.shape_cast %scan3A_108#2 : vector<16xf32> to vector<1x16xf32>
      tpu.vector_store %arg9[%swap3A_131, %swap3A_132], %swap3A_135 {strides = array<i32>} : memref<128x128xf32, #tpu.memory_space<vmem>>, vector<1x16xf32>,
      %swap3A_136 = arith.index_cast %mul3A_57 : i32 to index
      %swap3A_137 = arith.constant 32 : index
      %swap3A_138 = tpu.vector_load %arg10[%swap3A_136, %swap3A_137] {strides = array<i32>} : memref<128x128xf32, #tpu.memory_space<vmem>>, vector<1x16xf32>,
      %swap3A_139 = vector.shape_cast %swap3A_138 : vector<1x16xf32> to vector<16xf32>
      %swap3A_140 = vector.shape_cast %scan3A_108#10 : vector<16xf32> to vector<1x16xf32>
      tpu.vector_store %arg10[%swap3A_136, %swap3A_137], %swap3A_140 {strides = array<i32>} : memref<128x128xf32, #tpu.memory_space<vmem>>, vector<1x16xf32>,
      %swap3A_141 = arith.index_cast %mul3A_57 : i32 to index
      %swap3A_142 = arith.constant 48 : index
      %swap3A_143 = tpu.vector_load %arg9[%swap3A_141, %swap3A_142] {strides = array<i32>} : memref<128x128xf32, #tpu.memory_space<vmem>>, vector<1x16xf32>,
      %swap3A_144 = vector.shape_cast %swap3A_143 : vector<1x16xf32> to vector<16xf32>
      %swap3A_145 = vector.shape_cast %scan3A_108#3 : vector<16xf32> to vector<1x16xf32>
      tpu.vector_store %arg9[%swap3A_141, %swap3A_142], %swap3A_145 {strides = array<i32>} : memref<128x128xf32, #tpu.memory_space<vmem>>, vector<1x16xf32>,
      %swap3A_146 = arith.index_cast %mul3A_57 : i32 to index
      %swap3A_147 = arith.constant 48 : index
      %swap3A_148 = tpu.vector_load %arg10[%swap3A_146, %swap3A_147] {strides = array<i32>} : memref<128x128xf32, #tpu.memory_space<vmem>>, vector<1x16xf32>,
      %swap3A_149 = vector.shape_cast %swap3A_148 : vector<1x16xf32> to vector<16xf32>
      %swap3A_150 = vector.shape_cast %scan3A_108#11 : vector<16xf32> to vector<1x16xf32>
      tpu.vector_store %arg10[%swap3A_146, %swap3A_147], %swap3A_150 {strides = array<i32>} : memref<128x128xf32, #tpu.memory_space<vmem>>, vector<1x16xf32>,
      %swap3A_151 = arith.index_cast %mul3A_57 : i32 to index
      %swap3A_152 = arith.constant 64 : index
      %swap3A_153 = tpu.vector_load %arg9[%swap3A_151, %swap3A_152] {strides = array<i32>} : memref<128x128xf32, #tpu.memory_space<vmem>>, vector<1x16xf32>,
      %swap3A_154 = vector.shape_cast %swap3A_153 : vector<1x16xf32> to vector<16xf32>
      %swap3A_155 = vector.shape_cast %scan3A_108#4 : vector<16xf32> to vector<1x16xf32>
      tpu.vector_store %arg9[%swap3A_151, %swap3A_152], %swap3A_155 {strides = array<i32>} : memref<128x128xf32, #tpu.memory_space<vmem>>, vector<1x16xf32>,
      %swap3A_156 = arith.index_cast %mul3A_57 : i32 to index
      %swap3A_157 = arith.constant 64 : index
      %swap3A_158 = tpu.vector_load %arg10[%swap3A_156, %swap3A_157] {strides = array<i32>} : memref<128x128xf32, #tpu.memory_space<vmem>>, vector<1x16xf32>,
      %swap3A_159 = vector.shape_cast %swap3A_158 : vector<1x16xf32> to vector<16xf32>
      %swap3A_160 = vector.shape_cast %scan3A_108#12 : vector<16xf32> to vector<1x16xf32>
      tpu.vector_store %arg10[%swap3A_156, %swap3A_157], %swap3A_160 {strides = array<i32>} : memref<128x128xf32, #tpu.memory_space<vmem>>, vector<1x16xf32>,
      %swap3A_161 = arith.index_cast %mul3A_57 : i32 to index
      %swap3A_162 = arith.constant 80 : index
      %swap3A_163 = tpu.vector_load %arg9[%swap3A_161, %swap3A_162] {strides = array<i32>} : memref<128x128xf32, #tpu.memory_space<vmem>>, vector<1x16xf32>,
      %swap3A_164 = vector.shape_cast %swap3A_163 : vector<1x16xf32> to vector<16xf32>
      %swap3A_165 = vector.shape_cast %scan3A_108#5 : vector<16xf32> to vector<1x16xf32>
      tpu.vector_store %arg9[%swap3A_161, %swap3A_162], %swap3A_165 {strides = array<i32>} : memref<128x128xf32, #tpu.memory_space<vmem>>, vector<1x16xf32>,
      %swap3A_166 = arith.index_cast %mul3A_57 : i32 to index
      %swap3A_167 = arith.constant 80 : index
      %swap3A_168 = tpu.vector_load %arg10[%swap3A_166, %swap3A_167] {strides = array<i32>} : memref<128x128xf32, #tpu.memory_space<vmem>>, vector<1x16xf32>,
      %swap3A_169 = vector.shape_cast %swap3A_168 : vector<1x16xf32> to vector<16xf32>
      %swap3A_170 = vector.shape_cast %scan3A_108#13 : vector<16xf32> to vector<1x16xf32>
      tpu.vector_store %arg10[%swap3A_166, %swap3A_167], %swap3A_170 {strides = array<i32>} : memref<128x128xf32, #tpu.memory_space<vmem>>, vector<1x16xf32>,
      %swap3A_171 = arith.index_cast %mul3A_57 : i32 to index
      %swap3A_172 = arith.constant 96 : index
      %swap3A_173 = tpu.vector_load %arg9[%swap3A_171, %swap3A_172] {strides = array<i32>} : memref<128x128xf32, #tpu.memory_space<vmem>>, vector<1x16xf32>,
      %swap3A_174 = vector.shape_cast %swap3A_173 : vector<1x16xf32> to vector<16xf32>
      %swap3A_175 = vector.shape_cast %scan3A_108#6 : vector<16xf32> to vector<1x16xf32>
      tpu.vector_store %arg9[%swap3A_171, %swap3A_172], %swap3A_175 {strides = array<i32>} : memref<128x128xf32, #tpu.memory_space<vmem>>, vector<1x16xf32>,
      %swap3A_176 = arith.index_cast %mul3A_57 : i32 to index
      %swap3A_177 = arith.constant 96 : index
      %swap3A_178 = tpu.vector_load %arg10[%swap3A_176, %swap3A_177] {strides = array<i32>} : memref<128x128xf32, #tpu.memory_space<vmem>>, vector<1x16xf32>,
      %swap3A_179 = vector.shape_cast %swap3A_178 : vector<1x16xf32> to vector<16xf32>
      %swap3A_180 = vector.shape_cast %scan3A_108#14 : vector<16xf32> to vector<1x16xf32>
      tpu.vector_store %arg10[%swap3A_176, %swap3A_177], %swap3A_180 {strides = array<i32>} : memref<128x128xf32, #tpu.memory_space<vmem>>, vector<1x16xf32>,
      %swap3A_181 = arith.index_cast %mul3A_57 : i32 to index
      %swap3A_182 = arith.constant 112 : index
      %swap3A_183 = tpu.vector_load %arg9[%swap3A_181, %swap3A_182] {strides = array<i32>} : memref<128x128xf32, #tpu.memory_space<vmem>>, vector<1x16xf32>,
      %swap3A_184 = vector.shape_cast %swap3A_183 : vector<1x16xf32> to vector<16xf32>
      %swap3A_185 = vector.shape_cast %scan3A_108#7 : vector<16xf32> to vector<1x16xf32>
      tpu.vector_store %arg9[%swap3A_181, %swap3A_182], %swap3A_185 {strides = array<i32>} : memref<128x128xf32, #tpu.memory_space<vmem>>, vector<1x16xf32>,
      %swap3A_186 = arith.index_cast %mul3A_57 : i32 to index
      %swap3A_187 = arith.constant 112 : index
      %swap3A_188 = tpu.vector_load %arg10[%swap3A_186, %swap3A_187] {strides = array<i32>} : memref<128x128xf32, #tpu.memory_space<vmem>>, vector<1x16xf32>,
      %swap3A_189 = vector.shape_cast %swap3A_188 : vector<1x16xf32> to vector<16xf32>
      %swap3A_190 = vector.shape_cast %scan3A_108#15 : vector<16xf32> to vector<1x16xf32>
      tpu.vector_store %arg10[%swap3A_186, %swap3A_187], %swap3A_190 {strides = array<i32>} : memref<128x128xf32, #tpu.memory_space<vmem>>, vector<1x16xf32>,
      %dma_wait3A_191 = arith.constant 0 : i32
      %dma_wait3A_192 = arith.constant 0 : i32
      %dma_wait3A_193 = tpu.memref_slice %arg8[%dma_wait3A_191, %dma_wait3A_192] : memref<200x128xf32, #tpu.memory_space<vmem>> -> memref<104x128xf32, #tpu.memory_space<vmem>>
      %dma_wait3A_194 = arith.constant 0 : i32
      %dma_wait3A_195 = tpu.memref_slice %arg6[%dma_wait3A_194] : memref<25600xi32, #tpu.memory_space<vmem>> -> memref<104xi32, #tpu.memory_space<vmem>>
      %dma_wait3A_196 = arith.constant 0 : i32
      %dma_wait3A_197 = arith.constant 0 : i32
      %dma_wait3A_198 = tpu.memref_slice %arg3[%dma_wait3A_196, %dma_wait3A_197] : memref<100000x128xf32, #tpu.memory_space<hbm>> -> memref<100000x128xf32, #tpu.memory_space<hbm>>
      tpu.wait_indirect_dma semaphore(%arg12 : memref<!tpu.dma_semaphore, #tpu.memory_space<semaphore_mem>>) src(%dma_wait3A_198 : memref<100000x128xf32, #tpu.memory_space<hbm>>) dst(%dma_wait3A_193 : memref<104x128xf32, #tpu.memory_space<vmem>>)
      %dma_wait3A_199 = arith.constant 104 : i32
      %dma_wait3A_200 = arith.constant 0 : i32
      %dma_wait3A_201 = tpu.memref_slice %arg8[%dma_wait3A_199, %dma_wait3A_200] : memref<200x128xf32, #tpu.memory_space<vmem>> -> memref<96x128xf32, #tpu.memory_space<vmem>>
      %dma_wait3A_202 = arith.constant 104 : i32
      %dma_wait3A_203 = tpu.memref_slice %arg6[%dma_wait3A_202] : memref<25600xi32, #tpu.memory_space<vmem>> -> memref<96xi32, #tpu.memory_space<vmem>>
      %dma_wait3A_204 = arith.constant 0 : i32
      %dma_wait3A_205 = arith.constant 0 : i32
      %dma_wait3A_206 = tpu.memref_slice %arg3[%dma_wait3A_204, %dma_wait3A_205] : memref<100000x128xf32, #tpu.memory_space<hbm>> -> memref<100000x128xf32, #tpu.memory_space<hbm>>
      tpu.wait_indirect_dma semaphore(%arg12 : memref<!tpu.dma_semaphore, #tpu.memory_space<semaphore_mem>>) src(%dma_wait3A_206 : memref<100000x128xf32, #tpu.memory_space<hbm>>) dst(%dma_wait3A_201 : memref<96x128xf32, #tpu.memory_space<vmem>>)
      %broadcast_in_dim3A_207 = arith.constant 0.000000e+00 : f32
      %broadcast_in_dim3A_208 = vector.broadcast %broadcast_in_dim3A_207 : f32 to vector<16xf32>
      %broadcast_in_dim3A_209 = arith.constant 0.000000e+00 : f32
      %broadcast_in_dim3A_210 = vector.broadcast %broadcast_in_dim3A_209 : f32 to vector<16xf32>
      %broadcast_in_dim3A_211 = arith.constant 0.000000e+00 : f32
      %broadcast_in_dim3A_212 = vector.broadcast %broadcast_in_dim3A_211 : f32 to vector<16xf32>
      %broadcast_in_dim3A_213 = arith.constant 0.000000e+00 : f32
      %broadcast_in_dim3A_214 = vector.broadcast %broadcast_in_dim3A_213 : f32 to vector<16xf32>
      %broadcast_in_dim3A_215 = arith.constant 0.000000e+00 : f32
      %broadcast_in_dim3A_216 = vector.broadcast %broadcast_in_dim3A_215 : f32 to vector<16xf32>
      %broadcast_in_dim3A_217 = arith.constant 0.000000e+00 : f32
      %broadcast_in_dim3A_218 = vector.broadcast %broadcast_in_dim3A_217 : f32 to vector<16xf32>
      %broadcast_in_dim3A_219 = arith.constant 0.000000e+00 : f32
      %broadcast_in_dim3A_220 = vector.broadcast %broadcast_in_dim3A_219 : f32 to vector<16xf32>
      %broadcast_in_dim3A_221 = arith.constant 0.000000e+00 : f32
      %broadcast_in_dim3A_222 = vector.broadcast %broadcast_in_dim3A_221 : f32 to vector<16xf32>
      %broadcast_in_dim3A_223 = arith.constant 0xFF800000 : f32
      %broadcast_in_dim3A_224 = vector.broadcast %broadcast_in_dim3A_223 : f32 to vector<16xf32>
      %broadcast_in_dim3A_225 = arith.constant 0xFF800000 : f32
      %broadcast_in_dim3A_226 = vector.broadcast %broadcast_in_dim3A_225 : f32 to vector<16xf32>
      %broadcast_in_dim3A_227 = arith.constant 0xFF800000 : f32
      %broadcast_in_dim3A_228 = vector.broadcast %broadcast_in_dim3A_227 : f32 to vector<16xf32>
      %broadcast_in_dim3A_229 = arith.constant 0xFF800000 : f32
      %broadcast_in_dim3A_230 = vector.broadcast %broadcast_in_dim3A_229 : f32 to vector<16xf32>
      %broadcast_in_dim3A_231 = arith.constant 0xFF800000 : f32
      %broadcast_in_dim3A_232 = vector.broadcast %broadcast_in_dim3A_231 : f32 to vector<16xf32>
      %broadcast_in_dim3A_233 = arith.constant 0xFF800000 : f32
      %broadcast_in_dim3A_234 = vector.broadcast %broadcast_in_dim3A_233 : f32 to vector<16xf32>
      %broadcast_in_dim3A_235 = arith.constant 0xFF800000 : f32
      %broadcast_in_dim3A_236 = vector.broadcast %broadcast_in_dim3A_235 : f32 to vector<16xf32>
      %broadcast_in_dim3A_237 = arith.constant 0xFF800000 : f32
      %broadcast_in_dim3A_238 = vector.broadcast %broadcast_in_dim3A_237 : f32 to vector<16xf32>
      %scan3A_239 = arith.constant 0 : i32
      %scan3A_240 = arith.constant 200 : i32
      %scan3A_241 = arith.addi %scan3A_239, %scan3A_240 : i32
      %scan3A_242 = arith.constant 1 : i32
      %scan3A_243:16 = scf.for %scan3A_333 = %scan3A_239 to %scan3A_241 step %scan3A_242 iter_args(%scan3A_334 = %broadcast_in_dim3A_208, %scan3A_335 = %broadcast_in_dim3A_210, %scan3A_336 = %broadcast_in_dim3A_212, %scan3A_337 = %broadcast_in_dim3A_214, %scan3A_338 = %broadcast_in_dim3A_216, %scan3A_339 = %broadcast_in_dim3A_218, %scan3A_340 = %broadcast_in_dim3A_220, %scan3A_341 = %broadcast_in_dim3A_222, %scan3A_342 = %broadcast_in_dim3A_224, %scan3A_343 = %broadcast_in_dim3A_226, %scan3A_344 = %broadcast_in_dim3A_228, %scan3A_345 = %broadcast_in_dim3A_230, %scan3A_346 = %broadcast_in_dim3A_232, %scan3A_347 = %broadcast_in_dim3A_234, %scan3A_348 = %broadcast_in_dim3A_236, %scan3A_349 = %broadcast_in_dim3A_238) -> (vector<16xf32>, vector<16xf32>, vector<16xf32>, vector<16xf32>, vector<16xf32>, vector<16xf32>, vector<16xf32>, vector<16xf32>, vector<16xf32>, vector<16xf32>, vector<16xf32>, vector<16xf32>, vector<16xf32>, vector<16xf32>, vector<16xf32>, vector<16xf32>)  : i32 {
        %get3A = arith.index_cast %scan3A_333 : i32 to index
        %get3A_350 = arith.constant 0 : index
        %get3A_351 = tpu.vector_load %arg8[%get3A, %get3A_350] {strides = array<i32>} : memref<200x128xf32, #tpu.memory_space<vmem>>, vector<1x16xf32>,
        %get3A_352 = vector.shape_cast %get3A_351 : vector<1x16xf32> to vector<16xf32>
        %add3A_353 = arith.addf %scan3A_334, %get3A_352 : vector<16xf32>
        %max3A = arith.maximumf %scan3A_342, %get3A_352 : vector<16xf32>
        %get3A_354 = arith.index_cast %scan3A_333 : i32 to index
        %get3A_355 = arith.constant 16 : index
        %get3A_356 = tpu.vector_load %arg8[%get3A_354, %get3A_355] {strides = array<i32>} : memref<200x128xf32, #tpu.memory_space<vmem>>, vector<1x16xf32>,
        %get3A_357 = vector.shape_cast %get3A_356 : vector<1x16xf32> to vector<16xf32>
        %add3A_358 = arith.addf %scan3A_335, %get3A_357 : vector<16xf32>
        %max3A_359 = arith.maximumf %scan3A_343, %get3A_357 : vector<16xf32>
        %get3A_360 = arith.index_cast %scan3A_333 : i32 to index
        %get3A_361 = arith.constant 32 : index
        %get3A_362 = tpu.vector_load %arg8[%get3A_360, %get3A_361] {strides = array<i32>} : memref<200x128xf32, #tpu.memory_space<vmem>>, vector<1x16xf32>,
        %get3A_363 = vector.shape_cast %get3A_362 : vector<1x16xf32> to vector<16xf32>
        %add3A_364 = arith.addf %scan3A_336, %get3A_363 : vector<16xf32>
        %max3A_365 = arith.maximumf %scan3A_344, %get3A_363 : vector<16xf32>
        %get3A_366 = arith.index_cast %scan3A_333 : i32 to index
        %get3A_367 = arith.constant 48 : index
        %get3A_368 = tpu.vector_load %arg8[%get3A_366, %get3A_367] {strides = array<i32>} : memref<200x128xf32, #tpu.memory_space<vmem>>, vector<1x16xf32>,
        %get3A_369 = vector.shape_cast %get3A_368 : vector<1x16xf32> to vector<16xf32>
        %add3A_370 = arith.addf %scan3A_337, %get3A_369 : vector<16xf32>
        %max3A_371 = arith.maximumf %scan3A_345, %get3A_369 : vector<16xf32>
        %get3A_372 = arith.index_cast %scan3A_333 : i32 to index
        %get3A_373 = arith.constant 64 : index
        %get3A_374 = tpu.vector_load %arg8[%get3A_372, %get3A_373] {strides = array<i32>} : memref<200x128xf32, #tpu.memory_space<vmem>>, vector<1x16xf32>,
        %get3A_375 = vector.shape_cast %get3A_374 : vector<1x16xf32> to vector<16xf32>
        %add3A_376 = arith.addf %scan3A_338, %get3A_375 : vector<16xf32>
        %max3A_377 = arith.maximumf %scan3A_346, %get3A_375 : vector<16xf32>
        %get3A_378 = arith.index_cast %scan3A_333 : i32 to index
        %get3A_379 = arith.constant 80 : index
        %get3A_380 = tpu.vector_load %arg8[%get3A_378, %get3A_379] {strides = array<i32>} : memref<200x128xf32, #tpu.memory_space<vmem>>, vector<1x16xf32>,
        %get3A_381 = vector.shape_cast %get3A_380 : vector<1x16xf32> to vector<16xf32>
        %add3A_382 = arith.addf %scan3A_339, %get3A_381 : vector<16xf32>
        %max3A_383 = arith.maximumf %scan3A_347, %get3A_381 : vector<16xf32>
        %get3A_384 = arith.index_cast %scan3A_333 : i32 to index
        %get3A_385 = arith.constant 96 : index
        %get3A_386 = tpu.vector_load %arg8[%get3A_384, %get3A_385] {strides = array<i32>} : memref<200x128xf32, #tpu.memory_space<vmem>>, vector<1x16xf32>,
        %get3A_387 = vector.shape_cast %get3A_386 : vector<1x16xf32> to vector<16xf32>
        %add3A_388 = arith.addf %scan3A_340, %get3A_387 : vector<16xf32>
        %max3A_389 = arith.maximumf %scan3A_348, %get3A_387 : vector<16xf32>
        %get3A_390 = arith.index_cast %scan3A_333 : i32 to index
        %get3A_391 = arith.constant 112 : index
        %get3A_392 = tpu.vector_load %arg8[%get3A_390, %get3A_391] {strides = array<i32>} : memref<200x128xf32, #tpu.memory_space<vmem>>, vector<1x16xf32>,
        %get3A_393 = vector.shape_cast %get3A_392 : vector<1x16xf32> to vector<16xf32>
        %add3A_394 = arith.addf %scan3A_341, %get3A_393 : vector<16xf32>
        %max3A_395 = arith.maximumf %scan3A_349, %get3A_393 : vector<16xf32>
        scf.yield %add3A_353, %add3A_358, %add3A_364, %add3A_370, %add3A_376, %add3A_382, %add3A_388, %add3A_394, %max3A, %max3A_359, %max3A_365, %max3A_371, %max3A_377, %max3A_383, %max3A_389, %max3A_395 : vector<16xf32>, vector<16xf32>, vector<16xf32>, vector<16xf32>, vector<16xf32>, vector<16xf32>, vector<16xf32>, vector<16xf32>, vector<16xf32>, vector<16xf32>, vector<16xf32>, vector<16xf32>, vector<16xf32>, vector<16xf32>, vector<16xf32>, vector<16xf32>
      }
      %scan3A_244 = arith.constant 200 : i32
      %lt3A_245 = arith.constant 63 : i32
      %lt3A_246 = arith.cmpi slt, %scan3A_54, %lt3A_245 : i32
      %convert_element_type3A_247 = arith.extui %lt3A_246 : i1 to i32
      %cond3A_248 = arith.constant 0 : i32
      %cond3A_249 = arith.cmpi ne, %convert_element_type3A_247, %cond3A_248 : i32
      scf.if %cond3A_249 {
        %add3A_333 = arith.constant 3 : i32
        %add3A_334 = arith.addi %mul3A_57, %add3A_333 : i32
        %mul3A_335 = arith.constant 200 : i32
        %mul3A_336 = arith.muli %add3A_334, %mul3A_335 : i32
        %multiple_of3A_337 = tpu.assume_multiple %mul3A_336, 8 : i32
        %add3A_338 = arith.constant 0 : i32
        %add3A_339 = arith.addi %multiple_of3A_337, %add3A_338 : i32
        %dma_start3A_340 = arith.constant 0 : i32
        %dma_start3A_341 = arith.constant 0 : i32
        %dma_start3A_342 = tpu.memref_slice %arg8[%dma_start3A_340, %dma_start3A_341] : memref<200x128xf32, #tpu.memory_space<vmem>> -> memref<104x128xf32, #tpu.memory_space<vmem>>
        %dma_start3A_343 = tpu.memref_slice %arg6[%add3A_339] : memref<25600xi32, #tpu.memory_space<vmem>> -> memref<104xi32, #tpu.memory_space<vmem>>
        %dma_start3A_344 = arith.constant 0 : i32
        %dma_start3A_345 = arith.constant 0 : i32
        %dma_start3A_346 = tpu.memref_slice %arg3[%dma_start3A_344, %dma_start3A_345] : memref<100000x128xf32, #tpu.memory_space<hbm>> -> memref<100000x128xf32, #tpu.memory_space<hbm>>
        tpu.enqueue_indirect_dma source(%dma_start3A_346 : memref<100000x128xf32, #tpu.memory_space<hbm>>) target(%dma_start3A_342 : memref<104x128xf32, #tpu.memory_space<vmem>>) offsets(%dma_start3A_343 : memref<104xi32, #tpu.memory_space<vmem>>) semaphore(%arg12 : memref<!tpu.dma_semaphore, #tpu.memory_space<semaphore_mem>>)
        %mul3A_347 = arith.constant 200 : i32
        %mul3A_348 = arith.muli %add3A_334, %mul3A_347 : i32
        %multiple_of3A_349 = tpu.assume_multiple %mul3A_348, 8 : i32
        %add3A_350 = arith.constant 104 : i32
        %add3A_351 = arith.addi %multiple_of3A_349, %add3A_350 : i32
        %dma_start3A_352 = arith.constant 104 : i32
        %dma_start3A_353 = arith.constant 0 : i32
        %dma_start3A_354 = tpu.memref_slice %arg8[%dma_start3A_352, %dma_start3A_353] : memref<200x128xf32, #tpu.memory_space<vmem>> -> memref<96x128xf32, #tpu.memory_space<vmem>>
        %dma_start3A_355 = tpu.memref_slice %arg6[%add3A_351] : memref<25600xi32, #tpu.memory_space<vmem>> -> memref<96xi32, #tpu.memory_space<vmem>>
        %dma_start3A_356 = arith.constant 0 : i32
        %dma_start3A_357 = arith.constant 0 : i32
        %dma_start3A_358 = tpu.memref_slice %arg3[%dma_start3A_356, %dma_start3A_357] : memref<100000x128xf32, #tpu.memory_space<hbm>> -> memref<100000x128xf32, #tpu.memory_space<hbm>>
        tpu.enqueue_indirect_dma source(%dma_start3A_358 : memref<100000x128xf32, #tpu.memory_space<hbm>>) target(%dma_start3A_354 : memref<96x128xf32, #tpu.memory_space<vmem>>) offsets(%dma_start3A_355 : memref<96xi32, #tpu.memory_space<vmem>>) semaphore(%arg12 : memref<!tpu.dma_semaphore, #tpu.memory_space<semaphore_mem>>)
      } else {
      }
      %add3A_250 = arith.constant 1 : i32
      %add3A_251 = arith.addi %mul3A_57, %add3A_250 : i32
      %swap3A_252 = arith.index_cast %add3A_251 : i32 to index
      %swap3A_253 = arith.constant 0 : index
      %swap3A_254 = tpu.vector_load %arg9[%swap3A_252, %swap3A_253] {strides = array<i32>} : memref<128x128xf32, #tpu.memory_space<vmem>>, vector<1x16xf32>,
      %swap3A_255 = vector.shape_cast %swap3A_254 : vector<1x16xf32> to vector<16xf32>
      %swap3A_256 = vector.shape_cast %scan3A_243#0 : vector<16xf32> to vector<1x16xf32>
      tpu.vector_store %arg9[%swap3A_252, %swap3A_253], %swap3A_256 {strides = array<i32>} : memref<128x128xf32, #tpu.memory_space<vmem>>, vector<1x16xf32>,
      %swap3A_257 = arith.index_cast %add3A_251 : i32 to index
      %swap3A_258 = arith.constant 0 : index
      %swap3A_259 = tpu.vector_load %arg10[%swap3A_257, %swap3A_258] {strides = array<i32>} : memref<128x128xf32, #tpu.memory_space<vmem>>, vector<1x16xf32>,
      %swap3A_260 = vector.shape_cast %swap3A_259 : vector<1x16xf32> to vector<16xf32>
      %swap3A_261 = vector.shape_cast %scan3A_243#8 : vector<16xf32> to vector<1x16xf32>
      tpu.vector_store %arg10[%swap3A_257, %swap3A_258], %swap3A_261 {strides = array<i32>} : memref<128x128xf32, #tpu.memory_space<vmem>>, vector<1x16xf32>,
      %swap3A_262 = arith.index_cast %add3A_251 : i32 to index
      %swap3A_263 = arith.constant 16 : index
      %swap3A_264 = tpu.vector_load %arg9[%swap3A_262, %swap3A_263] {strides = array<i32>} : memref<128x128xf32, #tpu.memory_space<vmem>>, vector<1x16xf32>,
      %swap3A_265 = vector.shape_cast %swap3A_264 : vector<1x16xf32> to vector<16xf32>
      %swap3A_266 = vector.shape_cast %scan3A_243#1 : vector<16xf32> to vector<1x16xf32>
      tpu.vector_store %arg9[%swap3A_262, %swap3A_263], %swap3A_266 {strides = array<i32>} : memref<128x128xf32, #tpu.memory_space<vmem>>, vector<1x16xf32>,
      %swap3A_267 = arith.index_cast %add3A_251 : i32 to index
      %swap3A_268 = arith.constant 16 : index
      %swap3A_269 = tpu.vector_load %arg10[%swap3A_267, %swap3A_268] {strides = array<i32>} : memref<128x128xf32, #tpu.memory_space<vmem>>, vector<1x16xf32>,
      %swap3A_270 = vector.shape_cast %swap3A_269 : vector<1x16xf32> to vector<16xf32>
      %swap3A_271 = vector.shape_cast %scan3A_243#9 : vector<16xf32> to vector<1x16xf32>
      tpu.vector_store %arg10[%swap3A_267, %swap3A_268], %swap3A_271 {strides = array<i32>} : memref<128x128xf32, #tpu.memory_space<vmem>>, vector<1x16xf32>,
      %swap3A_272 = arith.index_cast %add3A_251 : i32 to index
      %swap3A_273 = arith.constant 32 : index
      %swap3A_274 = tpu.vector_load %arg9[%swap3A_272, %swap3A_273] {strides = array<i32>} : memref<128x128xf32, #tpu.memory_space<vmem>>, vector<1x16xf32>,
      %swap3A_275 = vector.shape_cast %swap3A_274 : vector<1x16xf32> to vector<16xf32>
      %swap3A_276 = vector.shape_cast %scan3A_243#2 : vector<16xf32> to vector<1x16xf32>
      tpu.vector_store %arg9[%swap3A_272, %swap3A_273], %swap3A_276 {strides = array<i32>} : memref<128x128xf32, #tpu.memory_space<vmem>>, vector<1x16xf32>,
      %swap3A_277 = arith.index_cast %add3A_251 : i32 to index
      %swap3A_278 = arith.constant 32 : index
      %swap3A_279 = tpu.vector_load %arg10[%swap3A_277, %swap3A_278] {strides = array<i32>} : memref<128x128xf32, #tpu.memory_space<vmem>>, vector<1x16xf32>,
      %swap3A_280 = vector.shape_cast %swap3A_279 : vector<1x16xf32> to vector<16xf32>
      %swap3A_281 = vector.shape_cast %scan3A_243#10 : vector<16xf32> to vector<1x16xf32>
      tpu.vector_store %arg10[%swap3A_277, %swap3A_278], %swap3A_281 {strides = array<i32>} : memref<128x128xf32, #tpu.memory_space<vmem>>, vector<1x16xf32>,
      %swap3A_282 = arith.index_cast %add3A_251 : i32 to index
      %swap3A_283 = arith.constant 48 : index
      %swap3A_284 = tpu.vector_load %arg9[%swap3A_282, %swap3A_283] {strides = array<i32>} : memref<128x128xf32, #tpu.memory_space<vmem>>, vector<1x16xf32>,
      %swap3A_285 = vector.shape_cast %swap3A_284 : vector<1x16xf32> to vector<16xf32>
      %swap3A_286 = vector.shape_cast %scan3A_243#3 : vector<16xf32> to vector<1x16xf32>
      tpu.vector_store %arg9[%swap3A_282, %swap3A_283], %swap3A_286 {strides = array<i32>} : memref<128x128xf32, #tpu.memory_space<vmem>>, vector<1x16xf32>,
      %swap3A_287 = arith.index_cast %add3A_251 : i32 to index
      %swap3A_288 = arith.constant 48 : index
      %swap3A_289 = tpu.vector_load %arg10[%swap3A_287, %swap3A_288] {strides = array<i32>} : memref<128x128xf32, #tpu.memory_space<vmem>>, vector<1x16xf32>,
      %swap3A_290 = vector.shape_cast %swap3A_289 : vector<1x16xf32> to vector<16xf32>
      %swap3A_291 = vector.shape_cast %scan3A_243#11 : vector<16xf32> to vector<1x16xf32>
      tpu.vector_store %arg10[%swap3A_287, %swap3A_288], %swap3A_291 {strides = array<i32>} : memref<128x128xf32, #tpu.memory_space<vmem>>, vector<1x16xf32>,
      %swap3A_292 = arith.index_cast %add3A_251 : i32 to index
      %swap3A_293 = arith.constant 64 : index
      %swap3A_294 = tpu.vector_load %arg9[%swap3A_292, %swap3A_293] {strides = array<i32>} : memref<128x128xf32, #tpu.memory_space<vmem>>, vector<1x16xf32>,
      %swap3A_295 = vector.shape_cast %swap3A_294 : vector<1x16xf32> to vector<16xf32>
      %swap3A_296 = vector.shape_cast %scan3A_243#4 : vector<16xf32> to vector<1x16xf32>
      tpu.vector_store %arg9[%swap3A_292, %swap3A_293], %swap3A_296 {strides = array<i32>} : memref<128x128xf32, #tpu.memory_space<vmem>>, vector<1x16xf32>,
      %swap3A_297 = arith.index_cast %add3A_251 : i32 to index
      %swap3A_298 = arith.constant 64 : index
      %swap3A_299 = tpu.vector_load %arg10[%swap3A_297, %swap3A_298] {strides = array<i32>} : memref<128x128xf32, #tpu.memory_space<vmem>>, vector<1x16xf32>,
      %swap3A_300 = vector.shape_cast %swap3A_299 : vector<1x16xf32> to vector<16xf32>
      %swap3A_301 = vector.shape_cast %scan3A_243#12 : vector<16xf32> to vector<1x16xf32>
      tpu.vector_store %arg10[%swap3A_297, %swap3A_298], %swap3A_301 {strides = array<i32>} : memref<128x128xf32, #tpu.memory_space<vmem>>, vector<1x16xf32>,
      %swap3A_302 = arith.index_cast %add3A_251 : i32 to index
      %swap3A_303 = arith.constant 80 : index
      %swap3A_304 = tpu.vector_load %arg9[%swap3A_302, %swap3A_303] {strides = array<i32>} : memref<128x128xf32, #tpu.memory_space<vmem>>, vector<1x16xf32>,
      %swap3A_305 = vector.shape_cast %swap3A_304 : vector<1x16xf32> to vector<16xf32>
      %swap3A_306 = vector.shape_cast %scan3A_243#5 : vector<16xf32> to vector<1x16xf32>
      tpu.vector_store %arg9[%swap3A_302, %swap3A_303], %swap3A_306 {strides = array<i32>} : memref<128x128xf32, #tpu.memory_space<vmem>>, vector<1x16xf32>,
      %swap3A_307 = arith.index_cast %add3A_251 : i32 to index
      %swap3A_308 = arith.constant 80 : index
      %swap3A_309 = tpu.vector_load %arg10[%swap3A_307, %swap3A_308] {strides = array<i32>} : memref<128x128xf32, #tpu.memory_space<vmem>>, vector<1x16xf32>,
      %swap3A_310 = vector.shape_cast %swap3A_309 : vector<1x16xf32> to vector<16xf32>
      %swap3A_311 = vector.shape_cast %scan3A_243#13 : vector<16xf32> to vector<1x16xf32>
      tpu.vector_store %arg10[%swap3A_307, %swap3A_308], %swap3A_311 {strides = array<i32>} : memref<128x128xf32, #tpu.memory_space<vmem>>, vector<1x16xf32>,
      %swap3A_312 = arith.index_cast %add3A_251 : i32 to index
      %swap3A_313 = arith.constant 96 : index
      %swap3A_314 = tpu.vector_load %arg9[%swap3A_312, %swap3A_313] {strides = array<i32>} : memref<128x128xf32, #tpu.memory_space<vmem>>, vector<1x16xf32>,
      %swap3A_315 = vector.shape_cast %swap3A_314 : vector<1x16xf32> to vector<16xf32>
      %swap3A_316 = vector.shape_cast %scan3A_243#6 : vector<16xf32> to vector<1x16xf32>
      tpu.vector_store %arg9[%swap3A_312, %swap3A_313], %swap3A_316 {strides = array<i32>} : memref<128x128xf32, #tpu.memory_space<vmem>>, vector<1x16xf32>,
      %swap3A_317 = arith.index_cast %add3A_251 : i32 to index
      %swap3A_318 = arith.constant 96 : index
      %swap3A_319 = tpu.vector_load %arg10[%swap3A_317, %swap3A_318] {strides = array<i32>} : memref<128x128xf32, #tpu.memory_space<vmem>>, vector<1x16xf32>,
      %swap3A_320 = vector.shape_cast %swap3A_319 : vector<1x16xf32> to vector<16xf32>
      %swap3A_321 = vector.shape_cast %scan3A_243#14 : vector<16xf32> to vector<1x16xf32>
      tpu.vector_store %arg10[%swap3A_317, %swap3A_318], %swap3A_321 {strides = array<i32>} : memref<128x128xf32, #tpu.memory_space<vmem>>, vector<1x16xf32>,
      %swap3A_322 = arith.index_cast %add3A_251 : i32 to index
      %swap3A_323 = arith.constant 112 : index
      %swap3A_324 = tpu.vector_load %arg9[%swap3A_322, %swap3A_323] {strides = array<i32>} : memref<128x128xf32, #tpu.memory_space<vmem>>, vector<1x16xf32>,
      %swap3A_325 = vector.shape_cast %swap3A_324 : vector<1x16xf32> to vector<16xf32>
      %swap3A_326 = vector.shape_cast %scan3A_243#7 : vector<16xf32> to vector<1x16xf32>
      tpu.vector_store %arg9[%swap3A_322, %swap3A_323], %swap3A_326 {strides = array<i32>} : memref<128x128xf32, #tpu.memory_space<vmem>>, vector<1x16xf32>,
      %swap3A_327 = arith.index_cast %add3A_251 : i32 to index
      %swap3A_328 = arith.constant 112 : index
      %swap3A_329 = tpu.vector_load %arg10[%swap3A_327, %swap3A_328] {strides = array<i32>} : memref<128x128xf32, #tpu.memory_space<vmem>>, vector<1x16xf32>,
      %swap3A_330 = vector.shape_cast %swap3A_329 : vector<1x16xf32> to vector<16xf32>
      %swap3A_331 = vector.shape_cast %scan3A_243#15 : vector<16xf32> to vector<1x16xf32>
      tpu.vector_store %arg10[%swap3A_327, %swap3A_328], %swap3A_331 {strides = array<i32>} : memref<128x128xf32, #tpu.memory_space<vmem>>, vector<1x16xf32>,
      %scan3A_332 = arith.constant 0 : i32
      scf.yield %scan3A_332 : i32
    }
    %scan3A_53 = arith.constant 64 : i32
    "tpu.region"() ({
      %run_scoped3A = tpu.sem_alloc : memref<!tpu.dma_semaphore, #tpu.memory_space<semaphore_mem>>
      %dma_start3A_54 = arith.constant 0 : i32
      %dma_start3A_55 = tpu.memref_slice %arg4[%mul3A_2, %dma_start3A_54] : memref<4096x128xf32, #tpu.memory_space<hbm>> -> memref<128x128xf32, #tpu.memory_space<hbm>>
      %dma_start3A_56 = arith.constant 0 : i32
      %dma_start3A_57 = tpu.memref_slice %arg4[%mul3A_2, %dma_start3A_56] : memref<4096x128xf32, #tpu.memory_space<hbm>> -> memref<128x128xf32, #tpu.memory_space<hbm>>
      tpu.enqueue_dma source(%arg9 : memref<128x128xf32, #tpu.memory_space<vmem>>) target(%dma_start3A_57 : memref<128x128xf32, #tpu.memory_space<hbm>>) target_semaphore(%run_scoped3A : memref<!tpu.dma_semaphore, #tpu.memory_space<semaphore_mem>>)
      %dma_wait3A = arith.constant 0 : i32
      %dma_wait3A_58 = tpu.memref_slice %arg4[%mul3A_2, %dma_wait3A] : memref<4096x128xf32, #tpu.memory_space<hbm>> -> memref<128x128xf32, #tpu.memory_space<hbm>>
      %dma_wait3A_59 = arith.constant 0 : i32
      %dma_wait3A_60 = tpu.memref_slice %arg4[%mul3A_2, %dma_wait3A_59] : memref<4096x128xf32, #tpu.memory_space<hbm>> -> memref<128x128xf32, #tpu.memory_space<hbm>>
      tpu.wait_dma2 semaphore(%run_scoped3A : memref<!tpu.dma_semaphore, #tpu.memory_space<semaphore_mem>>) src(%arg9 : memref<128x128xf32, #tpu.memory_space<vmem>>) dst(%dma_wait3A_60 : memref<128x128xf32, #tpu.memory_space<hbm>>)
      tpu.yield
    }) : () -> ()
    "tpu.region"() ({
      %run_scoped3A = tpu.sem_alloc : memref<!tpu.dma_semaphore, #tpu.memory_space<semaphore_mem>>
      %dma_start3A_54 = arith.constant 0 : i32
      %dma_start3A_55 = tpu.memref_slice %arg5[%mul3A_2, %dma_start3A_54] : memref<4096x128xf32, #tpu.memory_space<hbm>> -> memref<128x128xf32, #tpu.memory_space<hbm>>
      %dma_start3A_56 = arith.constant 0 : i32
      %dma_start3A_57 = tpu.memref_slice %arg5[%mul3A_2, %dma_start3A_56] : memref<4096x128xf32, #tpu.memory_space<hbm>> -> memref<128x128xf32, #tpu.memory_space<hbm>>
      tpu.enqueue_dma source(%arg10 : memref<128x128xf32, #tpu.memory_space<vmem>>) target(%dma_start3A_57 : memref<128x128xf32, #tpu.memory_space<hbm>>) target_semaphore(%run_scoped3A : memref<!tpu.dma_semaphore, #tpu.memory_space<semaphore_mem>>)
      %dma_wait3A = arith.constant 0 : i32
      %dma_wait3A_58 = tpu.memref_slice %arg5[%mul3A_2, %dma_wait3A] : memref<4096x128xf32, #tpu.memory_space<hbm>> -> memref<128x128xf32, #tpu.memory_space<hbm>>
      %dma_wait3A_59 = arith.constant 0 : i32
      %dma_wait3A_60 = tpu.memref_slice %arg5[%mul3A_2, %dma_wait3A_59] : memref<4096x128xf32, #tpu.memory_space<hbm>> -> memref<128x128xf32, #tpu.memory_space<hbm>>
      tpu.wait_dma2 semaphore(%run_scoped3A : memref<!tpu.dma_semaphore, #tpu.memory_space<semaphore_mem>>) src(%arg10 : memref<128x128xf32, #tpu.memory_space<vmem>>) dst(%dma_wait3A_60 : memref<128x128xf32, #tpu.memory_space<hbm>>)
      tpu.yield
    }) : () -> ()
    return
  }
}

</mosaic_0001>

<sc_bundles>
// kernel: _pool.3.cloned.1.call-start
scs
__scs_entry_jumppad:
0x0: {  	(pc) =	sbr.rel $0x88, $3  }
0x1: {  	(tag) =	ssettag $0x0;
	lr =	simm.s32 $0x1  }
0x2: {  	[smem:$0x3F9F] =	sst lr;
	_ =	strace $0xD0000000  }
0x3: {  	_ = 	snop  }
0x4: {  	_ = 	snop  }
0x5: {  	_ = 	snop  }
0x6: {  	_ = 	snop  }
0x7: {  	_ = 	snop  }
__scs_overlays_trampoline_lowered:
0x8: {  	[smem:$0x3FAE] =	sst s0  }
0x9: {  	[smem:$0x3FAF] =	sst s1  }
0xa: {  	[smem:$0x3FB0] =	sst s2  }
0xb: {  	[smem:$0x3FB1] =	sst s3  }
0xc: {  	[smem:$0x3FB2] =	sst s4  }
0xd: {  	[smem:$0x3FB3] =	sst s5  }
0xe: {  	[smem:$0x3FB4] =	sst s6  }
0xf: {  	[smem:$0x3FB5] =	sst s7  }
0x10: {  	[smem:$0x3FB6] =	sst s8  }
0x11: {  	[smem:$0x3FB7] =	sst s9;
	s0 =	simm.s32 @!p0 $0x0  }
0x12: {  	s1 =	sld [smem:$0x3F9D];
	s0 =	simm.s32 @p0 $0x1  }
0x13: {  	[smem:$0x3FB8] =	sst s0;
	s0 =	simm.s32 @!p1 $0x0  }
0x14: {  	s2 =	sld [smem:$0x3F9C];
	s0 =	simm.s32 @p1 $0x1  }
0x15: {  	[smem:$0x3FB9] =	sst s0;
	s0 =	simm.s32 @!p2 $0x0  }
0x16: {  	s3 =	sld [smem:$0x3FDB];
	s0 =	simm.s32 @p2 $0x1  }
0x17: {  	s4 =	simm.s32 $0x1BF5;
	[smem:$0x3FBB] =	sst s0  }
0x18: {  	s0 =	sld [smem:$0x3F9E];
	_ =	swait.ge [sflag:s4], $0x0  }
0x19: {  	s7 =	sld [smem:$0x3F9F]  }
0x1a: {  	s8 =	sadd.s32 $0xFFFFE003, lr  }
0x1b: {  	s9 =	sadd.s32 $0xFFFFFEF7, lr;
	s5 =	simm.s32 $0xFFFFFFFF;
	p2 =	slt.u32 s8, $0xFFFFF086  }
0x1c: {  	p1 =	slt.u32 s9, $0xF7A;
	s5 =	simm.s32 @!p2 $0x0  }
0x1d: {  	s5 =	simm.s32 @p1 $0x1;
	p0 =	seq.s32 s7, s2  }
0x1e: {  	s7 =	smul.u32 @!p0 $0xF7A, s2;
	p2 =	seq.s32 @!p0 s5, $0x0  }
0x1f: {  	s9 =	smul.u32 $0xF7A, s1;
	s8 =	simm.s32 @!p0 $0x1BF5;
	p2 =	por !p2, p0  }
0x20: {  	[sflag:s8] =	ssyncset.s32 @!p0 $0xFFFFF086;
	s6 =	sadd.s32 @!p0 s3, s7;
	s7 =	simm.s32 @!p0 $0x108  }
0x21: {  	s3 =	sadd.s32 s3, s9;
	s6 =	sadd.s32 @!p0 $0x88, s6;
	s7 =	simm.s32 @p2 $0x1082  }
0x22: {  	[simem:s7], [sflag:s8] =	dma.local @!p0 [hbm:s6], $0xF7A  }
0x23: {  	s9 =	sor.u32 $0xD0000000, s2;
	s6 =	simm.s32 $0x108;
	_ =	swait.ge @!p0 [sflag:s8], $0x0  }
0x24: {  	s3 =	sadd.s32 $0x88, s3;
	s6 =	simm.s32 @!p1 $0x1082;
	[sflag:s4] =	ssyncset.s32 $0xFFFFF086  }
0x25: {  	[simem:s6], [sflag:s4] =	dma.local [hbm:s3], $0xF7A  }
0x26: {  	[smem:$0x3F9F] =	sst s1;
	(tag) =	ssettag s2;
	_ =	strace s9  }
0x27: {  	s1 =	sld [smem:$0x3FAF]  }
0x28: {  	s2 =	sld [smem:$0x3FB0]  }
0x29: {  	s4 =	sld [smem:$0x3FB2]  }
0x2a: {  	p0 =	seq.s32 s5, $0x0;
	s5 =	sld [smem:$0x3FB3]  }
0x2b: {  	s6 =	sld [smem:$0x3FB4]  }
0x2c: {  	s7 =	sld [smem:$0x3FB5]  }
0x2d: {  	s3 =	simm.s32 $0x108;
	s8 =	sld [smem:$0x3FB6]  }
0x2e: {  	s3 =	simm.s32 @!p0 $0x1082;
	s9 =	sld [smem:$0x3FB7]  }
0x2f: {  	lr =	sadd.s32 s0, s3;
	s0 =	sld [smem:$0x3FAE]  }
0x30: {  	s3 =	sld [smem:$0x3FB1]  }
0x31: {  	[smem:$0x3FBA] =	sst s10  }
0x32: {  	s10 =	sld [smem:$0x3FB8];
	_ =	sdelay $0x3  }
0x33: {  	p0 =	seq.s32 s10, $0x1;
	s10 =	sld [smem:$0x3FBA];
	_ =	sdelay $0x3  }
0x34: {  	[smem:$0x3FBA] =	sst s10  }
0x35: {  	s10 =	sld [smem:$0x3FB9];
	_ =	sdelay $0x3  }
0x36: {  	p1 =	seq.s32 s10, $0x1;
	s10 =	sld [smem:$0x3FBA];
	_ =	sdelay $0x3  }
0x37: {  	[smem:$0x3FBA] =	sst s10  }
0x38: {  	s10 =	sld [smem:$0x3FBB]  }
0x39: {  	_ = 	snop;
	(pc) =	sbr.ind lr, $3  }
0x3a: {  	_ = 	snop  }
0x3b: {  	_ = 	snop  }
0x3c: {  	p2 =	seq.s32 s10, $0x1;
	s10 =	sld [smem:$0x3FBA]  }
0x3d: {  	_ =	shalt  }
0x3e: {  	_ =	shalt  }
0x3f: {  	_ =	shalt  }
0x40: {  	_ =	shalt  }
0x41: {  	_ =	shalt  }
0x42: {  	_ =	shalt  }
0x43: {  	_ =	shalt  }
0x44: {  	_ =	shalt  }
0x45: {  	_ =	shalt  }
0x46: {  	_ =	shalt  }
0x47: {  	_ =	shalt  }
0x48: {  	_ =	shalt  }
0x49: {  	_ =	shalt  }
0x4a: {  	_ =	shalt  }
0x4b: {  	_ =	shalt  }
0x4c: {  	_ =	shalt  }
0x4d: {  	_ =	shalt  }
0x4e: {  	_ =	shalt  }
0x4f: {  	_ =	shalt  }
0x50: {  	_ =	shalt  }
0x51: {  	_ =	shalt  }
0x52: {  	_ =	shalt  }
0x53: {  	_ =	shalt  }
0x54: {  	_ =	shalt  }
0x55: {  	_ =	shalt  }
0x56: {  	_ =	shalt  }
0x57: {  	_ =	shalt  }
0x58: {  	_ =	shalt  }
0x59: {  	_ =	shalt  }
0x5a: {  	_ =	shalt  }
0x5b: {  	_ =	shalt  }
0x5c: {  	_ =	shalt  }
0x5d: {  	_ =	shalt  }
0x5e: {  	_ =	shalt  }
0x5f: {  	_ =	shalt  }
0x60: {  	_ =	shalt  }
0x61: {  	_ =	shalt  }
0x62: {  	_ =	shalt  }
0x63: {  	_ =	shalt  }
0x64: {  	_ =	shalt  }
0x65: {  	_ =	shalt  }
0x66: {  	_ =	shalt  }
0x67: {  	_ =	shalt  }
0x68: {  	_ =	shalt  }
0x69: {  	_ =	shalt  }
0x6a: {  	_ =	shalt  }
0x6b: {  	_ =	shalt  }
0x6c: {  	_ =	shalt  }
0x6d: {  	_ =	shalt  }
0x6e: {  	_ =	shalt  }
0x6f: {  	_ =	shalt  }
0x70: {  	_ =	shalt  }
0x71: {  	_ =	shalt  }
0x72: {  	_ =	shalt  }
0x73: {  	_ =	shalt  }
0x74: {  	_ =	shalt  }
0x75: {  	_ =	shalt  }
0x76: {  	_ =	shalt  }
0x77: {  	_ =	shalt  }
0x78: {  	_ =	shalt  }
0x79: {  	_ =	shalt  }
0x7a: {  	_ =	shalt  }
0x7b: {  	_ =	shalt  }
0x7c: {  	_ =	shalt  }
0x7d: {  	_ =	shalt  }
0x7e: {  	_ =	shalt  }
0x7f: {  	_ =	shalt  }
0x80: {  	_ =	shalt  }
0x81: {  	_ =	shalt  }
0x82: {  	_ =	shalt  }
0x83: {  	_ =	shalt  }
0x84: {  	_ =	shalt  }
0x85: {  	_ =	shalt  }
0x86: {  	_ =	shalt  }
0x87: {  	_ =	shalt  }
.Lfunc_end0:
.L_simem_size_0:
called_computation_lowered:
.L_overlay_start_0:
0x88: {  	s2 =	sld [smem:$0x3FD9]  }
0x89: {  	s3 =	sld [smem:$0x3FFE];
	_ =	sdelay $0x1  }
0x8a: {  	s1 =	srdreg.scid  }
0x8b: {  	s0 =	sand.u32 $0x1, s1  }
0x8c: {  	s15 =	sshll.u32 s0, $0xA;
	s2 =	sadd.s32 s3, s2  }
0x8d: {  	s2 =	sadd.s32 s2, s15  }
0x8e: {  	[smem:$0x3FC6] =	sst s2  }
0x8f: {  	_ = 	snop  }
0x90: {  	s2 =	sld [smem:$0x3FD0];
	_ =	sdelay $0x1  }
0x91: {  	s16 =	sld [smem:$0x3FC9]  }
0x92: {  	s5 =	simm.s32 $0xA;
	s6 =	simm.s32 $0x10;
	s4 =	sld [smem:$0x3FC8]  }
0x93: {  	[smem:s6], [sflag:s5] =	dma.local [hbm:s2], $0x1  }
0x94: {  	_ =	swait.eq [sflag:s5], $0x1  }
0x95: {  	[sflag:s5] =	ssyncset.done $0x0  }
0x96: {  	s17 =	sld [smem:$0x10];
	[sflag:s5] =	ssyncadd.s32 $0xFFFFFFFF  }
0x97: {  	s18 =	sld [smem:$0x11];
	(tm) =	ssettm $0x1  }
0x98: {  	s19 =	sld [smem:$0x3FFB];
	_ =	sdelay $0x3  }
0x99: {  	_ =	strace s19  }
0x9a: {  	s6 =	sld [smem:$0x3FFC];
	_ =	sdelay $0x3  }
0x9b: {  	_ =	strace s6  }
0x9c: {  	s6 =	sld [smem:$0x3FFD];
	_ =	sdelay $0x3  }
0x9d: {  	_ =	strace s6  }
0x9e: {  	_ =	strace $0x8FFFFFFF  }
0x9f: {  	s20 =	sld [smem:$0x3FDB];
	_ =	sdelay $0x1  }
0xa0: {  	s7 =	simm.s32 $_scs_section_size  }
0xa1: {  	s8 =	simm.s32 $_size__tile_overlayer_lowered;
	s9 =	simm.s32 $_tile_overlayer_lowered  }
0xa2: {  	s23 =	simm.s32 $0x1BFF;
	s22 =	sshll.u32 s9, $0x1;
	s6 =	sadd.s32 s7, s20  }
0xa3: {  	s10 =	simm.s32 $0x0;
	s21 =	sshll.u32 s8, $0x1;
	s8 =	sadd.s32 s22, s6  }
0xa4: {  	[timem:s10], [sflag:s23] =	dma.local [hbm:s8], s21  }
0xa5: {  	_ =	swait.ge [sflag:s23], s21  }
0xa6: {  	s7 =	ssub.s32 $0x0, s21;
	[sflag:s23] =	ssyncset.done $0x0  }
0xa7: {  	[sflag:s23] =	ssyncadd.s32 s7;
	_ =	sdelay $0x1  }
0xa8: {  	s24 =	simm.s32 $0x1B8B  }
0xa9: {  	_ =	swait.ge [sflag:s24], $0x1  }
0xaa: {  	[sflag:s24] =	ssyncset.done $0x0  }
0xab: {  	s25 =	simm.s32 $0x1B8E;
	[sflag:s24] =	ssyncadd.s32 $0xFFFFFFFF  }
0xac: {  	s26 =	simm.s32 $execute0_lowered;
	[smem:$0x3FD2] =	sst s25  }
0xad: {  	s7 =	sshll.u32 s26, $0x1;
	_ =	strace $0x80000046;
	[dreg:$0x1] =	wrdreg $0xFFFFFFFF  }
0xae: {  	s28 =	simm.s32 $_size_execute0_lowered;
	s6 =	sadd.s32 s6, s7;
	[dreg:$0x0] =	wrdreg $0x0  }
0xaf: {  	s7 =	sshll.u32 s28, $0x1;
	[dreg:$0x2] =	wrdreg s6  }
0xb0: {  	[dreg:$0x3] =	wrdreg s7  }
0xb1: {  	[dreg:$0x4] =	wrdreg $0xC0  }
0xb2: {  	_ =	task [dreg:s10], $0x5FFFF  }
0xb3: {  	[dreg:$0x1] =	wrdreg $0xFFFFFFFF  }
0xb4: {  	[dreg:$0x0] =	wrdreg $0x60  }
0xb5: {  	[dreg:$0x2] =	wrdreg s16  }
0xb6: {  	[dreg:$0x3] =	wrdreg s4  }
0xb7: {  	[dreg:$0x4] =	wrdreg s17  }
0xb8: {  	[dreg:$0x5] =	wrdreg s18  }
0xb9: {  	[dreg:$0x6] =	wrdreg $0x9  }
0xba: {  	_ =	task.clear_ibuf [dreg:s10], $0x7FFFF;
	_ =	strace $0x90000046  }
0xbb: {  	s29 =	simm.s32 $0x9;
	_ =	strace $0x80000048  }
0xbc: {  	_ =	swait.ge [sflag:s29], $0x1  }
0xbd: {  	[sflag:s29] =	ssyncadd.s32 $0xFFFFFFFF  }
0xbe: {  	_ =	strace $0x90000048  }
0xbf: {  	_ =	sfence  }
0xc0: {  	s30 =	sld [smem:$0x0];
	_ =	sdelay $0x2  }
0xc1: {  	s31 =	sshll.u32 s1, $0xD;
	s1 =	sshrl.u32 s1, $0x2  }
0xc2: {  	s3 =	sand.u32 $0x4000, s31;
	s1 =	sadd.s32 s1, s30  }
0xc3: {  	s0 =	sor.u32 s3, s0;
	s1 =	sshll.u32 s1, $0x11  }
0xc4: {  	s0 =	sor.u32 s1, s0  }
0xc5: {  	s0 =	sadd.s32 $0x8F2B, s0  }
0xc6: {  	[sflag:s0] =	ssyncadd.remote.s32 $0x1  }
0xc7: {  	_ =	sfence.sel $0xFFFF  }
0xc8: {  	[dreg:$0x0] =	wrdreg $0xFFFFFFFF;
	(pc) =	sbr.abs _section_cstart, $3  }
0xc9: {  	[dreg:$0x1] =	wrdreg $0xFFFFFFFF  }
0xca: {  	_ =	task.clear_ibuf [dreg:s10], $0x2FFFF;
	_ =	strace $0x9FFFFFFF  }
0xcb: {  	(tm) =	ssettm $0x7FFFFFFF  }
tec
execute0_lowered:
.L_overlay_start_1:
0x0: {  	(tag) =	ssettag $0x1  }
0x1: {  	s4 =	rddreg [dreg:$0x0]  }
0x2: {  	s2 =	rddreg [dreg:$0x1]  }
0x3: {  	s5 =	rddreg [dreg:$0x2]  }
0x4: {  	s6 =	rddreg [dreg:$0x3]  }
0x5: {  	s3 =	srdreg.scid;
	s1 =	stileid.u32  }
0x6: {  	s0 =	rddreg [dreg:$0x4];
	s11 =	simm.s32 $0x60;
	s12 =	simm.s32 $0x9800  }
0x7: {  	s13 =	simm.s32 $0xC8;
	s14 =	simm.s32 $0xC800;
	s15 =	simm.s32 $0x130  }
0x8: {  	s16 =	simm.s32 $0xFC00;
	s17 =	simm.s32 $0x1;
	s18 =	simm.s32 $0x2  }
0x9: {  	s19 =	simm.s32 $0x12C00;
	s20 =	simm.s32 $0x16C00;
	s21 =	simm.s32 $0x0  }
0xa: {  	s7 =	sand.u32 $0x1, s3;
	s8 =	sshll.u32 s1, $0x1;
	s3 =	simm.s32 $0x0  }
0xb: {  	s9 =	ssub.s32 $0x2, s7;
	s7 =	sor.u32 s7, s8;
	[smem:$0x7FF] =	sst s3  }
0xc: {  	s31 =	sshrl.u32 s9, $0x1;
	s10 =	smul.u32 $0xC80, s7;
	s7 =	sshll.u32 s7, $0xB  }
0xd: {  	_ =	strace $0x80000047;
	s8 =	ssub.s32 s9, s31;
	s5 =	sadd.s32 s5, s7  }
0xe: {  	s6 =	sadd.s32 s6, s7;
	s9 =	simm.s32 $0x68;
	s4 =	sadd.s32 s4, s10  }
0xf: {  	s7 =	smax.u32 s8, $0x1;
	s8 =	simm.s32 $0x3;
	s10 =	simm.s32 $0x6400  }
.LBB2_1:
0x10: {  	[tilespmem:s3], [sflag:$0x3] =	stream.linear.gather [hbm4b:s4+s3], $0x6400, $0x38;
	[tilespmem:$0x1AC00] =	vst v63  }
0x11: {  	_ =	swait.ge [sflag:s8], $0x6400  }
0x12: {  	[sflag:s8] =	ssyncset.done $0x0  }
0x13: {  	[sflag:s8] =	ssyncadd.s32 $0xFFFF9C00  }
0x14: {  	[tilespmem:s10], [sflag:$0x1] =	stream.indirect.gather [hbm4b:s2+s9], $0x80, s3, s9, $0xb8;
	[tilespmem:$0x1AC00] =	vst v63  }
0x15: {  	_ = 	snop  }
0x16: {  	[tilespmem:s12], [sflag:$0x1] =	stream.indirect.gather [hbm4b:s2+s11], $0x80, s9, s11, $0xb8;
	[tilespmem:$0x1AC00] =	vst v63  }
0x17: {  	_ = 	snop  }
0x18: {  	[tilespmem:s14], [sflag:$0x2] =	stream.indirect.gather [hbm4b:s2+s9], $0x80, s13, s9, $0xb8;
	[tilespmem:$0x1AC00] =	vst v63  }
0x19: {  	s22 =	simm.s32 $0x0  }
0x1a: {  	[tilespmem:s16], [sflag:$0x2] =	stream.indirect.gather [hbm4b:s2+s11], $0x80, s15, s11, $0xb8;
	[tilespmem:$0x1AC00] =	vst v63  }
.LBB2_2:
0x1b: {  	_ =	swait.ge [sflag:s17], $0x3400  }
0x1c: {  	[sflag:s17] =	ssyncset.done $0x0  }
0x1d: {  	[sflag:s17] =	ssyncadd.s32 $0xFFFFCC00  }
0x1e: {  	_ =	swait.ge [sflag:s17], $0x3000  }
0x1f: {  	[sflag:s17] =	ssyncset.done $0x0  }
0x20: {  	s24 =	simm.s32 $0x0;
	[sflag:s17] =	ssyncadd.s32 $0xFFFFD000  }
0x21: {  	v0 =	vld [tilespmem:s24+$0x6470]  }
0x22: {  	v2 =	vld [tilespmem:s24+$0x6400]  }
0x23: {  	v4 =	vld [tilespmem:s24+$0x6410]  }
0x24: {  	v7 =	vimm.f32 $0.0e+00  }
0x25: {  	v3 =	vimm.f32 $-Inf;
	v16 =	vimm.f32 $0.0e+00;
	v6 =	vimm.f32 $-Inf;
	v14 =	vld [tilespmem:s24+$0x6420]  }
0x26: {  	v15 =	vimm.f32 $0.0e+00;
	v5 =	vimm.f32 $-Inf;
	v11 =	vimm.f32 $0.0e+00;
	v13 =	vld [tilespmem:s24+$0x6430]  }
0x27: {  	v10 =	vimm.f32 $0.0e+00;
	v8 =	vld [tilespmem:s24+$0x6440];
	v1 =	vadd.f32 v0, v7;
	v0 =	vmax.f32 v3, v0  }
0x28: {  	v9 =	vld [tilespmem:s24+$0x6450];
	v20 =	vadd.f32 v2, v7;
	v19 =	vmax.f32 v3, v2;
	v17 =	vadd.f32 v4, v7  }
0x29: {  	s25 =	simm.s32 $0x80;
	s23 =	simm.s32 $0x400;
	v12 =	vld [tilespmem:s24+$0x6460];
	v18 =	vmax.f32 v3, v4;
	v4 =	vimm.f32 $-Inf;
	v2 =	vimm.f32 $-Inf  }
.LBB2_3:
0x2a: {  	p0 =	sne.s32 s23, $0x18E00;
	v21 =	vld [tilespmem:s25+$0x6470];
	v7 =	vadd.f32 v14, v7;
	v3 =	vmax.f32 v3, v14  }
0x2b: {  	v22 =	vld [tilespmem:s25+$0x6400];
	v16 =	vadd.f32 v13, v16;
	v6 =	vmax.f32 v6, v13  }
0x2c: {  	v23 =	vld [tilespmem:s25+$0x6410];
	v15 =	vadd.f32 v8, v15;
	v5 =	vmax.f32 v5, v8  }
.Ltmp0:
0x2d: {  	v14 =	vld [tilespmem:s25+$0x6420];
	v11 =	vadd.f32 v9, v11;
	v4 =	vmax.f32 v4, v9;
	(pc) =	sbr.rel @p0 .LBB2_3-.Ltmp0, $4  }
0x2e: {  	v13 =	vld [tilespmem:s25+$0x6430];
	v10 =	vadd.f32 v12, v10;
	v2 =	vmax.f32 v2, v12  }
0x2f: {  	v8 =	vld [tilespmem:s25+$0x6440];
	v1 =	vadd.f32 v21, v1;
	v0 =	vmax.f32 v0, v21  }
0x30: {  	v20 =	vadd.f32 v22, v20;
	v19 =	vmax.f32 v19, v22;
	v9 =	vld [tilespmem:s25+$0x6450]  }
0x31: {  	v17 =	vadd.f32 v23, v17;
	v18 =	vmax.f32 v18, v23;
	v12 =	vld [tilespmem:s25+$0x6460];
	s25 =	sshra.s32 s23, $0x2;
	s23 =	sadd.s32 $0x200, s23  }
0x32: {  	v21 =	vld [tilespmem:s25+$0x6470]  }
0x33: {  	v22 =	vld [tilespmem:s25+$0x6400]  }
0x34: {  	v23 =	vld [tilespmem:s25+$0x6410]  }
0x35: {  	v24 =	vld [tilespmem:s25+$0x6420];
	p0 =	seq.s32 s22, $0x3F  }
0x36: {  	v25 =	vld [tilespmem:s25+$0x6430];
	s24 =	smul.u32 @!p0 $0x640, s22  }
0x37: {  	v26 =	vld [tilespmem:s25+$0x6440]  }
0x38: {  	v27 =	vld [tilespmem:s25+$0x6450];
	s23 =	sshll.u32 s22, $0x8;
	s24 =	sshra.s32 @!p0 s24, $0x2  }
0x39: {  	v28 =	vld [tilespmem:s25+$0x6460];
	s26 =	simm.s32 @!p0 $0x68;
	s28 =	simm.s32 @!p0 $0x6400;
	s25 =	sadd.s32 @!p0 $0x190, s24  }
0x3a: {  	[tilespmem:s28], [sflag:$0x1] =	stream.indirect.gather @!p0 [hbm4b:s2+s26], $0x80, s25, s26, $0xb8;
	[tilespmem:$0x1AC00] =	vst v63  }
0x3b: {  	v20 =	vadd.f32 v22, v20;
	s25 =	sadd.s32 @!p0 $0x1F8, s24;
	s26 =	simm.s32 @!p0 $0x60;
	s28 =	simm.s32 @!p0 $0x9800  }
0x3c: {  	[tilespmem:s28], [sflag:$0x1] =	stream.indirect.gather @!p0 [hbm4b:s2+s26], $0x80, s25, s26, $0xb8;
	[tilespmem:$0x1AC00] =	vst v63  }
0x3d: {  	v7 =	vadd.f32 v14, v7;
	v19 =	vmax.f32 v19, v22;
	v17 =	vadd.f32 v23, v17;
	[tilespmem:s23+$0x12C00] =	vst v20  }
0x3e: {  	[tilespmem:s23+$0x16C00] =	vst v19  }
0x3f: {  	v16 =	vadd.f32 v13, v16;
	v18 =	vmax.f32 v18, v23;
	v7 =	vadd.f32 v24, v7;
	[tilespmem:s23+$0x12C10] =	vst v17  }
0x40: {  	v3 =	vmax.f32 v3, v14;
	[tilespmem:s23+$0x16C10] =	vst v18  }
0x41: {  	v14 =	vadd.f32 v8, v15;
	v3 =	vmax.f32 v3, v24;
	v15 =	vadd.f32 v25, v16;
	[tilespmem:s23+$0x12C20] =	vst v7  }
0x42: {  	v6 =	vmax.f32 v6, v13;
	[tilespmem:s23+$0x16C20] =	vst v3  }
0x43: {  	v5 =	vmax.f32 v5, v8;
	v6 =	vmax.f32 v6, v25;
	[tilespmem:s23+$0x12C30] =	vst v15  }
0x44: {  	v4 =	vmax.f32 v4, v9;
	v5 =	vmax.f32 v5, v26;
	[tilespmem:s23+$0x16C30] =	vst v6  }
0x45: {  	v2 =	vmax.f32 v2, v12;
	v4 =	vmax.f32 v4, v27;
	[tilespmem:s23+$0x16C40] =	vst v5  }
0x46: {  	v1 =	vadd.f32 v21, v1;
	v2 =	vmax.f32 v2, v28;
	[tilespmem:s23+$0x16C50] =	vst v4  }
0x47: {  	v3 =	vadd.f32 v9, v11;
	[tilespmem:s23+$0x16C60] =	vst v2  }
0x48: {  	v0 =	vmax.f32 v0, v21;
	v7 =	vadd.f32 v26, v14;
	v6 =	vadd.f32 v12, v10;
	[tilespmem:s23+$0x12C70] =	vst v1  }
0x49: {  	[tilespmem:s23+$0x16C70] =	vst v0;
	v3 =	vadd.f32 v27, v3  }
0x4a: {  	[tilespmem:s23+$0x12C40] =	vst v7;
	v5 =	vadd.f32 v28, v6  }
0x4b: {  	[tilespmem:s23+$0x12C50] =	vst v3  }
0x4c: {  	[tilespmem:s23+$0x12C60] =	vst v5  }
0x4d: {  	_ =	swait.ge [sflag:s18], $0x3400  }
0x4e: {  	[sflag:s18] =	ssyncset.done $0x0  }
0x4f: {  	[sflag:s18] =	ssyncadd.s32 $0xFFFFCC00  }
0x50: {  	_ =	swait.ge [sflag:s18], $0x3000  }
0x51: {  	[sflag:s18] =	ssyncset.done $0x0  }
0x52: {  	s31 =	simm.s32 $0x0;
	[sflag:s18] =	ssyncadd.s32 $0xFFFFD000  }
0x53: {  	v0 =	vld [tilespmem:s31+$0xC870]  }
0x54: {  	v2 =	vld [tilespmem:s31+$0xC800]  }
0x55: {  	v4 =	vld [tilespmem:s31+$0xC810]  }
0x56: {  	v16 =	vimm.f32 $0.0e+00  }
0x57: {  	v15 =	vimm.f32 $0.0e+00;
	v11 =	vimm.f32 $0.0e+00;
	v10 =	vimm.f32 $0.0e+00;
	v14 =	vld [tilespmem:s31+$0xC820]  }
0x58: {  	v7 =	vimm.f32 $0.0e+00;
	v6 =	vimm.f32 $-Inf;
	v3 =	vimm.f32 $-Inf;
	v13 =	vld [tilespmem:s31+$0xC830]  }
0x59: {  	v5 =	vimm.f32 $-Inf;
	v8 =	vld [tilespmem:s31+$0xC840];
	v1 =	vadd.f32 v0, v7;
	v0 =	vmax.f32 v3, v0  }
0x5a: {  	v9 =	vld [tilespmem:s31+$0xC850];
	v20 =	vadd.f32 v2, v7;
	v19 =	vmax.f32 v3, v2;
	v17 =	vadd.f32 v4, v7  }
0x5b: {  	s25 =	simm.s32 $0x80;
	s26 =	simm.s32 $0x400;
	v12 =	vld [tilespmem:s31+$0xC860];
	v18 =	vmax.f32 v3, v4;
	v4 =	vimm.f32 $-Inf;
	v2 =	vimm.f32 $-Inf  }
.LBB2_5:
0x5c: {  	p1 =	sne.s32 s26, $0x18E00;
	v21 =	vld [tilespmem:s25+$0xC870];
	v7 =	vadd.f32 v14, v7;
	v3 =	vmax.f32 v3, v14  }
0x5d: {  	v22 =	vld [tilespmem:s25+$0xC800];
	v16 =	vadd.f32 v13, v16;
	v6 =	vmax.f32 v6, v13  }
0x5e: {  	v23 =	vld [tilespmem:s25+$0xC810];
	v15 =	vadd.f32 v8, v15;
	v5 =	vmax.f32 v5, v8  }
.Ltmp1:
0x5f: {  	v14 =	vld [tilespmem:s25+$0xC820];
	v11 =	vadd.f32 v9, v11;
	v4 =	vmax.f32 v4, v9;
	(pc) =	sbr.rel @p1 .LBB2_5-.Ltmp1, $4  }
0x60: {  	v13 =	vld [tilespmem:s25+$0xC830];
	v10 =	vadd.f32 v12, v10;
	v2 =	vmax.f32 v2, v12  }
0x61: {  	v8 =	vld [tilespmem:s25+$0xC840];
	v1 =	vadd.f32 v21, v1;
	v0 =	vmax.f32 v0, v21  }
0x62: {  	v20 =	vadd.f32 v22, v20;
	v19 =	vmax.f32 v19, v22;
	v9 =	vld [tilespmem:s25+$0xC850]  }
0x63: {  	v17 =	vadd.f32 v23, v17;
	v18 =	vmax.f32 v18, v23;
	v12 =	vld [tilespmem:s25+$0xC860];
	s25 =	sshra.s32 s26, $0x2;
	s26 =	sadd.s32 $0x200, s26  }
0x64: {  	v21 =	vld [tilespmem:s25+$0xC870]  }
0x65: {  	v22 =	vld [tilespmem:s25+$0xC800]  }
0x66: {  	v23 =	vld [tilespmem:s25+$0xC810]  }
0x67: {  	v24 =	vld [tilespmem:s25+$0xC820]  }
0x68: {  	v25 =	vld [tilespmem:s25+$0xC830]  }
0x69: {  	v26 =	vld [tilespmem:s25+$0xC840]  }
0x6a: {  	v27 =	vld [tilespmem:s25+$0xC850]  }
0x6b: {  	v28 =	vld [tilespmem:s25+$0xC860];
	s25 =	sadd.s32 @!p0 $0x258, s24;
	s26 =	simm.s32 @!p0 $0x68;
	s28 =	simm.s32 @!p0 $0xC800  }
0x6c: {  	[tilespmem:s28], [sflag:$0x2] =	stream.indirect.gather @!p0 [hbm4b:s2+s26], $0x80, s25, s26, $0xb8;
	[tilespmem:$0x1AC00] =	vst v63  }
0x6d: {  	s24 =	sadd.s32 @!p0 $0x2C0, s24;
	s25 =	simm.s32 @!p0 $0x60;
	s26 =	simm.s32 @!p0 $0xFC00  }
0x6e: {  	[tilespmem:s26], [sflag:$0x2] =	stream.indirect.gather @!p0 [hbm4b:s2+s25], $0x80, s24, s25, $0xb8;
	v19 =	vmax.f32 v19, v22;
	[tilespmem:$0x1AC00] =	vst v63  }
0x6f: {  	v3 =	vmax.f32 v3, v14;
	v18 =	vmax.f32 v18, v23;
	[tilespmem:s23+$0x16C80] =	vst v19  }
0x70: {  	v6 =	vmax.f32 v6, v13;
	v3 =	vmax.f32 v3, v24;
	[tilespmem:s23+$0x16C90] =	vst v18  }
0x71: {  	v5 =	vmax.f32 v5, v8;
	v6 =	vmax.f32 v6, v25;
	[tilespmem:s23+$0x16CA0] =	vst v3  }
0x72: {  	v4 =	vmax.f32 v4, v9;
	v5 =	vmax.f32 v5, v26;
	[tilespmem:s23+$0x16CB0] =	vst v6  }
0x73: {  	v2 =	vmax.f32 v2, v12;
	v4 =	vmax.f32 v4, v27;
	[tilespmem:s23+$0x16CC0] =	vst v5  }
0x74: {  	v2 =	vmax.f32 v2, v28;
	[tilespmem:s23+$0x16CD0] =	vst v4  }
0x75: {  	v7 =	vadd.f32 v14, v7;
	v20 =	vadd.f32 v22, v20;
	v0 =	vmax.f32 v0, v21;
	[tilespmem:s23+$0x16CE0] =	vst v2  }
0x76: {  	v16 =	vadd.f32 v13, v16;
	v17 =	vadd.f32 v23, v17;
	[tilespmem:s23+$0x16CF0] =	vst v0  }
0x77: {  	v58 =	vadd.f32 v8, v15;
	v7 =	vadd.f32 v24, v7;
	[tilespmem:s23+$0x12C80] =	vst v20  }
0x78: {  	s22 =	sadd.s32 $0x1, s22;
	v59 =	vadd.f32 v25, v16;
	[tilespmem:s23+$0x12C90] =	vst v17  }
0x79: {  	v60 =	vadd.f32 v9, v11;
	p0 =	sne.s32 s22, $0x40;
	v61 =	vadd.f32 v26, v58;
	[tilespmem:s23+$0x12CA0] =	vst v7  }
.Ltmp2:
0x7a: {  	v62 =	vadd.f32 v12, v10;
	v1 =	vadd.f32 v21, v1;
	[tilespmem:s23+$0x12CB0] =	vst v59;
	(pc) =	sbr.rel @p0 .LBB2_2-.Ltmp2, $4  }
0x7b: {  	v3 =	vadd.f32 v27, v60;
	[tilespmem:s23+$0x12CC0] =	vst v61  }
0x7c: {  	v63 =	vadd.f32 v28, v62;
	[tilespmem:s23+$0x12CF0] =	vst v1  }
0x7d: {  	[tilespmem:s23+$0x12CD0] =	vst v3  }
0x7e: {  	[tilespmem:s23+$0x12CE0] =	vst v63  }
0x7f: {  	[hbm4b:s5+s3] =	stream.linear.scatter [tilespmem:s19], [sflag:$0x3], $0x4000, $0x38;
	[tilespmem:$0x1AC00] =	vst v63  }
0x80: {  	s21 =	sadd.s32 $0x1, s21;
	_ =	swait.ge [sflag:s8], $0x4000  }
0x81: {  	p0 =	sne.s32 s21, s7;
	[sflag:s8] =	ssyncset.done $0x0  }
.Ltmp3:
0x82: {  	[sflag:s8] =	ssyncadd.s32 $0xFFFFC000;
	(pc) =	sbr.rel @p0 .LBB2_1-.Ltmp3, $4  }
0x83: {  	[hbm4b:s6+s3] =	stream.linear.scatter [tilespmem:s20], [sflag:$0x3], $0x4000, $0x38;
	[tilespmem:$0x1AC00] =	vst v63  }
0x84: {  	_ =	swait.ge [sflag:s8], $0x4000  }
0x85: {  	[sflag:s8] =	ssyncset.done $0x0  }
0x86: {  	[sflag:s8] =	ssyncadd.s32 $0xFFFFC000  }
0x87: {  	_ =	sfence.sel $0x180000  }
0x88: {  	[bflag:$0x0] =	sbarrier.arrive $0xFFFF  }
0x89: {  	p0 =	sne.s32 s1, $0x0;
	_ =	strace $0x90000047  }
0x8a: {  	s0 =	sadd.s32 @!p0 $0x100000, s0;
	[bflag:$0x2] =	sbarrier.arrive $0xFFFF  }
0x8b: {  	[sflag:s0] =	ssyncadd.tile.s32 @!p0 $0x1;
	_ =	shalt  }
.Lfunc_end2:
_tile_overlayer_lowered:
.L_overlay_start_2:
0x8c: {  	(tag) =	ssettag $0x2  }
0x8d: {  	s0 =	rddreg [dreg:$0x0];
	s2 =	stileid.u32  }
0x8e: {  	s1 =	rddreg [dreg:$0x1];
	p0 =	sne.s32 s2, $0x0  }
0x8f: {  	s3 =	rddreg [dreg:$0x2];
	[bflag:$0x3] =	sbarrier.arrive $0xFFFF;
	s2 =	simm.s32 @!p0 $0x1C03  }
0x90: {  	[timem:s3], [sflag:s2] =	dma.local @!p0 [hbm:s0], s1  }
0x91: {  	s0 =	simm.s32 @!p0 $0x3  }
0x92: {  	_ =	swait.ge @!p0 [sflag:s0], s1  }
0x93: {  	s1 =	ssub.s32 @!p0 $0x0, s1;
	[sflag:s0] =	ssyncset.done @!p0 $0x0  }
0x94: {  	[sflag:s0] =	ssyncadd.s32 @!p0 s1  }
0x95: {  	[bflag:$0x3] =	sbarrier.arrive $0xFFFF  }
0x96: {  	_ =	shalt  }

</sc_bundles>
